<compile_context>
chip_gen: v7x
topology: tpu7x:2x2x1
jax: 0.10.2.dev20260603
libtpu: 0.0.44.dev20260713+nightly
codegen_flags: <defaults>
</compile_context>

<pallas_src>
import functools

import jax
import jax.numpy as jnp
from jax import lax
from jax.experimental import pallas as pl
from jax.experimental.pallas import tpu as pltpu
from jax.experimental.pallas import tpu_sc as plsc

NC = 2
NS = 16
NW = NC * NS
CHUNK = 128
GK = 4
NBUF = 3
R_TC = 2048
TC_FRAC_NUM, TC_FRAC_DEN = 1, 2


def _sc_body_factory(n_rows, tc_rows, rows_per_w, n_blocks, n_emb):
    def body(table_hbm, idx_hbm, out_hbm, table_sh, idx_v, rows, sg, sw, sem0):
        wid = lax.axis_index("s") * NC + lax.axis_index("c")
        base = tc_rows + wid * rows_per_w
        blk = GK * CHUNK

        sid = lax.axis_index("s")
        pltpu.async_copy(
            table_hbm.at[pl.ds(1, n_emb - 1)],
            table_sh.at[pl.ds(sid * (n_emb - 1), n_emb - 1)], sem0).wait()
        pltpu.async_copy(idx_hbm.at[pl.ds(base, rows_per_w)], idx_v, sem0).wait()

        roff = sid * (n_emb - 1)

        def off_body(k, carry):
            sl = pl.ds(k * 16, 16)
            idx_v[sl] = idx_v[sl] + roff
            return carry

        lax.fori_loop(0, rows_per_w // 16, off_body, 0)

        def start_g(i, b):
            pltpu.async_copy(
                table_sh.at[idx_v.at[pl.ds(i * blk, blk)]], rows[b], sg[b])

        def wait_g(i, b):
            pltpu.make_async_copy(
                table_sh.at[idx_v.at[pl.ds(i * blk, blk)]], rows[b], sg[b]).wait()

        def start_w(i, b):
            pltpu.async_copy(
                rows[b], out_hbm.at[pl.ds(base + i * blk, blk)], sw[b])

        def wait_w(i, b):
            pltpu.make_async_copy(
                rows[b], out_hbm.at[pl.ds(base + i * blk, blk)], sw[b]).wait()

        start_g(0, 0)
        start_g(1, 1)
        for i in range(n_blocks):
            b = i % NBUF
            wait_g(i, b)
            if i >= 1:
                wait_w(i - 1, (i - 1) % NBUF)
            if i + 2 < n_blocks:
                start_g(i + 2, (i + 2) % NBUF)
            start_w(i, b)
        wait_w(n_blocks - 1, (n_blocks - 1) % NBUF)

    return body


@functools.partial(jax.jit, static_argnames=("n_rows", "d"))
def _lookup(idx_flat, table, *, n_rows, d):
    n_emb = table.shape[0]
    tc_rows = (n_rows * TC_FRAC_NUM // TC_FRAC_DEN) // R_TC * R_TC
    sc_rows = n_rows - tc_rows
    rows_per_w = sc_rows // NW
    n_chunks = rows_per_w // CHUNK
    n_blocks = n_chunks // GK
    assert n_blocks >= NBUF
    assert rows_per_w * NW == sc_rows
    assert n_blocks * GK * CHUNK == rows_per_w

    mesh = plsc.VectorSubcoreMesh(core_axis_name="c", subcore_axis_name="s")

    sc_call = functools.partial(
        pl.kernel,
        out_type=jax.ShapeDtypeStruct((n_rows, d), jnp.float32),
        mesh=mesh,
        scratch_types=[
            pltpu.VMEM_SHARED((NS * (n_emb - 1), d), jnp.float32),
            pltpu.VMEM((rows_per_w,), jnp.int32),
            tuple(pltpu.VMEM((GK * CHUNK, d), jnp.float32) for _ in range(NBUF)),
            tuple(pltpu.SemaphoreType.DMA for _ in range(NBUF)),
            tuple(pltpu.SemaphoreType.DMA for _ in range(NBUF)),
            pltpu.SemaphoreType.DMA,
        ],
        compiler_params=pltpu.CompilerParams(use_tc_tiling_on_sc=False),
    )(_sc_body_factory(n_rows, tc_rows, rows_per_w, n_blocks, n_emb))

    sc_out = sc_call(table, idx_flat)

    ir = R_TC // 128
    idx2d = idx_flat[:tc_rows].reshape(tc_rows // 128, 128)

    def tc_body(idx_ref, tbl_ref, _, out_ref):
        h2 = idx_ref[...]
        oh = (h2[:, :, None] + 1 == lax.broadcasted_iota(
            jnp.int32, (ir, 128, n_emb), 2)).astype(jnp.float32)
        out_ref[...] = jnp.dot(oh.reshape(R_TC, n_emb), tbl_ref[...],
                               precision=lax.Precision.HIGHEST,
                               preferred_element_type=jnp.float32)

    out = pl.pallas_call(
        tc_body,
        grid=(tc_rows // R_TC,),
        in_specs=[
            pl.BlockSpec((ir, 128), lambda i: (i, 0)),
            pl.BlockSpec((n_emb, d), lambda i: (0, 0)),
            pl.BlockSpec(memory_space=pl.ANY),
        ],
        out_specs=pl.BlockSpec((R_TC, d), lambda i: (i, 0)),
        out_shape=jax.ShapeDtypeStruct((n_rows, d), jnp.float32),
        input_output_aliases={2: 0},
    )(idx2d, table, sc_out)
    return out


def kernel(hop_distances, embedding_weight):
    b, t = hop_distances.shape
    _, d = embedding_weight.shape
    n_rows = b * t
    idx_flat = hop_distances.astype(jnp.int32).reshape(-1)
    out = _lookup(idx_flat, embedding_weight, n_rows=n_rows, d=d)
    return out.reshape(b, t, d)

# --- scband reference (transcript-rebuilt; emitter-appended) ---
"""Pipeline reference for scband-neighbor-hop-encoder-9938554322946 (READ-ONLY COPY).

The authoritative reference and input builder live on the scoring server;
editing this copy changes nothing except your own understanding.
"""

import jax, jax.numpy as jnp
import numpy as np

MAX_HOP = 16
EMBED_DIM = 64
NUM_EMB = MAX_HOP + 2

def setup_inputs(seed: int = 0) -> dict:
    key = jax.random.key(seed)
    k1, k2 = jax.random.split(key)
    hop_distances = jax.random.randint(k1, (4096, 200), 0, 17, dtype=jnp.int64 if jax.config.read('jax_enable_x64') else jnp.int32)
    # nn.Embedding default init: N(0, 1)
    embedding_weight = jax.random.normal(k2, (NUM_EMB, EMBED_DIM), dtype=jnp.float32)
    return {"hop_distances": hop_distances, "embedding_weight": embedding_weight}

def reference(hop_distances, embedding_weight):
    shifted = hop_distances + 1
    return jnp.take(embedding_weight, shifted, axis=0)

if __name__ == "__main__":
    import jax
    _d = setup_inputs()
    print(jax.jit(kernel)(*tuple(_d.values())))

</pallas_src>

<mosaic_0001>
#map = affine_map<(d0, d1) -> (0, 0)>
#map1 = affine_map<(d0, d1) -> (0)>
module attributes {stable_mosaic.version = 14 : i64} {
  func.func @body(%arg0: i32, %arg1: i32, %arg2: memref<18x64xf32, #tpu.memory_space<hbm>>, %arg3: memref<819200xi32, #tpu.memory_space<hbm>>, %arg4: memref<819200x64xf32, #tpu.memory_space<hbm>>, %arg5: memref<272x64xf32, #tpu.memory_space<vmem_shared>>, %arg6: memref<12800xi32, #tpu.memory_space<vmem>>, %arg7: memref<512x64xf32, #tpu.memory_space<vmem>>, %arg8: memref<512x64xf32, #tpu.memory_space<vmem>>, %arg9: memref<512x64xf32, #tpu.memory_space<vmem>>, %arg10: memref<!tpu.dma_semaphore, #tpu.memory_space<semaphore_mem>>, %arg11: memref<!tpu.dma_semaphore, #tpu.memory_space<semaphore_mem>>, %arg12: memref<!tpu.dma_semaphore, #tpu.memory_space<semaphore_mem>>, %arg13: memref<!tpu.dma_semaphore, #tpu.memory_space<semaphore_mem>>, %arg14: memref<!tpu.dma_semaphore, #tpu.memory_space<semaphore_mem>>, %arg15: memref<!tpu.dma_semaphore, #tpu.memory_space<semaphore_mem>>, %arg16: memref<!tpu.dma_semaphore, #tpu.memory_space<semaphore_mem>>) attributes {dimension_semantics = [#tpu.dimension_semantics<core_parallel>, #tpu.dimension_semantics<subcore_parallel>], iteration_bounds = array<i64: 2, 16>, scalar_prefetch = 0 : i64, scratch_operands = 12 : i64, tpu.core_type = #tpu.core_type<sc_vector_subcore>, window_params = [{transform_indices = #map}, {transform_indices = #map1}, {transform_indices = #map}]} {
    %mul3A = arith.constant 2 : i32
    %mul3A_0 = arith.muli %arg1, %mul3A : i32
    %add3A = arith.addi %mul3A_0, %arg0 : i32
    %mul3A_1 = arith.constant 12800 : i32
    %mul3A_2 = arith.muli %add3A, %mul3A_1 : i32
    %add3A_3 = arith.constant 409600 : i32
    %add3A_4 = arith.addi %add3A_3, %mul3A_2 : i32
    %mul3A_5 = arith.constant 17 : i32
    %mul3A_6 = arith.muli %arg1, %mul3A_5 : i32
    %dma_start3A = arith.constant 0 : i32
    %dma_start3A_7 = tpu.memref_slice %arg5[%mul3A_6, %dma_start3A] : memref<272x64xf32, #tpu.memory_space<vmem_shared>> -> memref<17x64xf32, #tpu.memory_space<vmem_shared>>
    %dma_start3A_8 = arith.constant 1 : i32
    %dma_start3A_9 = arith.constant 0 : i32
    %dma_start3A_10 = tpu.memref_slice %arg2[%dma_start3A_8, %dma_start3A_9] : memref<18x64xf32, #tpu.memory_space<hbm>> -> memref<17x64xf32, #tpu.memory_space<hbm>>
    tpu.enqueue_dma source(%dma_start3A_10 : memref<17x64xf32, #tpu.memory_space<hbm>>) target(%dma_start3A_7 : memref<17x64xf32, #tpu.memory_space<vmem_shared>>) target_semaphore(%arg16 : memref<!tpu.dma_semaphore, #tpu.memory_space<semaphore_mem>>)
    %dma_wait3A = arith.constant 0 : i32
    %dma_wait3A_11 = tpu.memref_slice %arg5[%mul3A_6, %dma_wait3A] : memref<272x64xf32, #tpu.memory_space<vmem_shared>> -> memref<17x64xf32, #tpu.memory_space<vmem_shared>>
    %dma_wait3A_12 = arith.constant 1 : i32
    %dma_wait3A_13 = arith.constant 0 : i32
    %dma_wait3A_14 = tpu.memref_slice %arg2[%dma_wait3A_12, %dma_wait3A_13] : memref<18x64xf32, #tpu.memory_space<hbm>> -> memref<17x64xf32, #tpu.memory_space<hbm>>
    tpu.wait_dma2 semaphore(%arg16 : memref<!tpu.dma_semaphore, #tpu.memory_space<semaphore_mem>>) src(%dma_wait3A_14 : memref<17x64xf32, #tpu.memory_space<hbm>>) dst(%dma_wait3A_11 : memref<17x64xf32, #tpu.memory_space<vmem_shared>>)
    %dma_start3A_15 = tpu.memref_slice %arg3[%add3A_4] : memref<819200xi32, #tpu.memory_space<hbm>> -> memref<12800xi32, #tpu.memory_space<hbm>>
    %dma_start3A_16 = tpu.memref_slice %arg3[%add3A_4] : memref<819200xi32, #tpu.memory_space<hbm>> -> memref<12800xi32, #tpu.memory_space<hbm>>
    tpu.enqueue_dma source(%dma_start3A_16 : memref<12800xi32, #tpu.memory_space<hbm>>) target(%arg6 : memref<12800xi32, #tpu.memory_space<vmem>>) target_semaphore(%arg16 : memref<!tpu.dma_semaphore, #tpu.memory_space<semaphore_mem>>)
    %dma_wait3A_17 = tpu.memref_slice %arg3[%add3A_4] : memref<819200xi32, #tpu.memory_space<hbm>> -> memref<12800xi32, #tpu.memory_space<hbm>>
    %dma_wait3A_18 = tpu.memref_slice %arg3[%add3A_4] : memref<819200xi32, #tpu.memory_space<hbm>> -> memref<12800xi32, #tpu.memory_space<hbm>>
    tpu.wait_dma2 semaphore(%arg16 : memref<!tpu.dma_semaphore, #tpu.memory_space<semaphore_mem>>) src(%dma_wait3A_18 : memref<12800xi32, #tpu.memory_space<hbm>>) dst(%arg6 : memref<12800xi32, #tpu.memory_space<vmem>>)
    %mul3A_19 = arith.constant 17 : i32
    %mul3A_20 = arith.muli %arg1, %mul3A_19 : i32
    %scan3A = arith.constant 0 : i32
    %scan3A_21 = arith.constant 0 : i32
    %scan3A_22 = arith.constant 800 : i32
    %scan3A_23 = arith.addi %scan3A_21, %scan3A_22 : i32
    %scan3A_24 = arith.constant 1 : i32
    scf.for %scan3A_576 = %scan3A_21 to %scan3A_23 step %scan3A_24  : i32 {
      %mul3A_577 = arith.constant 16 : i32
      %mul3A_578 = arith.muli %scan3A_576, %mul3A_577 : i32
      %get3A = arith.index_cast %mul3A_578 : i32 to index
      %get3A_579 = tpu.vector_load %arg6[%get3A] {strides = array<i32>} : memref<12800xi32, #tpu.memory_space<vmem>>, vector<16xi32>,
      %get3A_580 = vector.shape_cast %get3A_579 : vector<16xi32> to vector<16xi32>
      %add3A_581 = vector.broadcast %mul3A_20 : i32 to vector<16xi32>
      %add3A_582 = arith.addi %get3A_580, %add3A_581 : vector<16xi32>
      %swap3A = arith.index_cast %mul3A_578 : i32 to index
      %swap3A_583 = tpu.vector_load %arg6[%swap3A] {strides = array<i32>} : memref<12800xi32, #tpu.memory_space<vmem>>, vector<16xi32>,
      %swap3A_584 = vector.shape_cast %swap3A_583 : vector<16xi32> to vector<16xi32>
      %swap3A_585 = vector.shape_cast %add3A_582 : vector<16xi32> to vector<16xi32>
      tpu.vector_store %arg6[%swap3A], %swap3A_585 {strides = array<i32>} : memref<12800xi32, #tpu.memory_space<vmem>>, vector<16xi32>,
    }
    %scan3A_25 = arith.constant 800 : i32
    %dma_start3A_26 = arith.constant 0 : i32
    %dma_start3A_27 = tpu.memref_slice %arg6[%dma_start3A_26] : memref<12800xi32, #tpu.memory_space<vmem>> -> memref<512xi32, #tpu.memory_space<vmem>>
    %dma_start3A_28 = arith.constant 0 : i32
    %dma_start3A_29 = arith.constant 0 : i32
    %dma_start3A_30 = tpu.memref_slice %arg5[%dma_start3A_28, %dma_start3A_29] : memref<272x64xf32, #tpu.memory_space<vmem_shared>> -> memref<272x64xf32, #tpu.memory_space<vmem_shared>>
    tpu.enqueue_indirect_dma source(%dma_start3A_30 : memref<272x64xf32, #tpu.memory_space<vmem_shared>>) target(%arg7 : memref<512x64xf32, #tpu.memory_space<vmem>>) offsets(%dma_start3A_27 : memref<512xi32, #tpu.memory_space<vmem>>) semaphore(%arg10 : memref<!tpu.dma_semaphore, #tpu.memory_space<semaphore_mem>>)
    %dma_start3A_31 = arith.constant 512 : i32
    %dma_start3A_32 = tpu.memref_slice %arg6[%dma_start3A_31] : memref<12800xi32, #tpu.memory_space<vmem>> -> memref<512xi32, #tpu.memory_space<vmem>>
    %dma_start3A_33 = arith.constant 0 : i32
    %dma_start3A_34 = arith.constant 0 : i32
    %dma_start3A_35 = tpu.memref_slice %arg5[%dma_start3A_33, %dma_start3A_34] : memref<272x64xf32, #tpu.memory_space<vmem_shared>> -> memref<272x64xf32, #tpu.memory_space<vmem_shared>>
    tpu.enqueue_indirect_dma source(%dma_start3A_35 : memref<272x64xf32, #tpu.memory_space<vmem_shared>>) target(%arg8 : memref<512x64xf32, #tpu.memory_space<vmem>>) offsets(%dma_start3A_32 : memref<512xi32, #tpu.memory_space<vmem>>) semaphore(%arg11 : memref<!tpu.dma_semaphore, #tpu.memory_space<semaphore_mem>>)
    %dma_wait3A_36 = arith.constant 0 : i32
    %dma_wait3A_37 = tpu.memref_slice %arg6[%dma_wait3A_36] : memref<12800xi32, #tpu.memory_space<vmem>> -> memref<512xi32, #tpu.memory_space<vmem>>
    %dma_wait3A_38 = arith.constant 0 : i32
    %dma_wait3A_39 = arith.constant 0 : i32
    %dma_wait3A_40 = tpu.memref_slice %arg5[%dma_wait3A_38, %dma_wait3A_39] : memref<272x64xf32, #tpu.memory_space<vmem_shared>> -> memref<272x64xf32, #tpu.memory_space<vmem_shared>>
    tpu.wait_indirect_dma semaphore(%arg10 : memref<!tpu.dma_semaphore, #tpu.memory_space<semaphore_mem>>) src(%dma_wait3A_40 : memref<272x64xf32, #tpu.memory_space<vmem_shared>>) dst(%arg7 : memref<512x64xf32, #tpu.memory_space<vmem>>)
    %dma_start3A_41 = arith.constant 1024 : i32
    %dma_start3A_42 = tpu.memref_slice %arg6[%dma_start3A_41] : memref<12800xi32, #tpu.memory_space<vmem>> -> memref<512xi32, #tpu.memory_space<vmem>>
    %dma_start3A_43 = arith.constant 0 : i32
    %dma_start3A_44 = arith.constant 0 : i32
    %dma_start3A_45 = tpu.memref_slice %arg5[%dma_start3A_43, %dma_start3A_44] : memref<272x64xf32, #tpu.memory_space<vmem_shared>> -> memref<272x64xf32, #tpu.memory_space<vmem_shared>>
    tpu.enqueue_indirect_dma source(%dma_start3A_45 : memref<272x64xf32, #tpu.memory_space<vmem_shared>>) target(%arg9 : memref<512x64xf32, #tpu.memory_space<vmem>>) offsets(%dma_start3A_42 : memref<512xi32, #tpu.memory_space<vmem>>) semaphore(%arg12 : memref<!tpu.dma_semaphore, #tpu.memory_space<semaphore_mem>>)
    %add3A_46 = arith.constant 0 : i32
    %add3A_47 = arith.addi %add3A_4, %add3A_46 : i32
    %dma_start3A_48 = arith.constant 0 : i32
    %dma_start3A_49 = tpu.memref_slice %arg4[%add3A_47, %dma_start3A_48] : memref<819200x64xf32, #tpu.memory_space<hbm>> -> memref<512x64xf32, #tpu.memory_space<hbm>>
    %dma_start3A_50 = arith.constant 0 : i32
    %dma_start3A_51 = tpu.memref_slice %arg4[%add3A_47, %dma_start3A_50] : memref<819200x64xf32, #tpu.memory_space<hbm>> -> memref<512x64xf32, #tpu.memory_space<hbm>>
    tpu.enqueue_dma source(%arg7 : memref<512x64xf32, #tpu.memory_space<vmem>>) target(%dma_start3A_51 : memref<512x64xf32, #tpu.memory_space<hbm>>) target_semaphore(%arg13 : memref<!tpu.dma_semaphore, #tpu.memory_space<semaphore_mem>>)
    %dma_wait3A_52 = arith.constant 512 : i32
    %dma_wait3A_53 = tpu.memref_slice %arg6[%dma_wait3A_52] : memref<12800xi32, #tpu.memory_space<vmem>> -> memref<512xi32, #tpu.memory_space<vmem>>
    %dma_wait3A_54 = arith.constant 0 : i32
    %dma_wait3A_55 = arith.constant 0 : i32
    %dma_wait3A_56 = tpu.memref_slice %arg5[%dma_wait3A_54, %dma_wait3A_55] : memref<272x64xf32, #tpu.memory_space<vmem_shared>> -> memref<272x64xf32, #tpu.memory_space<vmem_shared>>
    tpu.wait_indirect_dma semaphore(%arg11 : memref<!tpu.dma_semaphore, #tpu.memory_space<semaphore_mem>>) src(%dma_wait3A_56 : memref<272x64xf32, #tpu.memory_space<vmem_shared>>) dst(%arg8 : memref<512x64xf32, #tpu.memory_space<vmem>>)
    %add3A_57 = arith.constant 0 : i32
    %add3A_58 = arith.addi %add3A_4, %add3A_57 : i32
    %dma_wait3A_59 = arith.constant 0 : i32
    %dma_wait3A_60 = tpu.memref_slice %arg4[%add3A_58, %dma_wait3A_59] : memref<819200x64xf32, #tpu.memory_space<hbm>> -> memref<512x64xf32, #tpu.memory_space<hbm>>
    %dma_wait3A_61 = arith.constant 0 : i32
    %dma_wait3A_62 = tpu.memref_slice %arg4[%add3A_58, %dma_wait3A_61] : memref<819200x64xf32, #tpu.memory_space<hbm>> -> memref<512x64xf32, #tpu.memory_space<hbm>>
    tpu.wait_dma2 semaphore(%arg13 : memref<!tpu.dma_semaphore, #tpu.memory_space<semaphore_mem>>) src(%arg7 : memref<512x64xf32, #tpu.memory_space<vmem>>) dst(%dma_wait3A_62 : memref<512x64xf32, #tpu.memory_space<hbm>>)
    %dma_start3A_63 = arith.constant 1536 : i32
    %dma_start3A_64 = tpu.memref_slice %arg6[%dma_start3A_63] : memref<12800xi32, #tpu.memory_space<vmem>> -> memref<512xi32, #tpu.memory_space<vmem>>
    %dma_start3A_65 = arith.constant 0 : i32
    %dma_start3A_66 = arith.constant 0 : i32
    %dma_start3A_67 = tpu.memref_slice %arg5[%dma_start3A_65, %dma_start3A_66] : memref<272x64xf32, #tpu.memory_space<vmem_shared>> -> memref<272x64xf32, #tpu.memory_space<vmem_shared>>
    tpu.enqueue_indirect_dma source(%dma_start3A_67 : memref<272x64xf32, #tpu.memory_space<vmem_shared>>) target(%arg7 : memref<512x64xf32, #tpu.memory_space<vmem>>) offsets(%dma_start3A_64 : memref<512xi32, #tpu.memory_space<vmem>>) semaphore(%arg10 : memref<!tpu.dma_semaphore, #tpu.memory_space<semaphore_mem>>)
    %add3A_68 = arith.constant 512 : i32
    %add3A_69 = arith.addi %add3A_4, %add3A_68 : i32
    %dma_start3A_70 = arith.constant 0 : i32
    %dma_start3A_71 = tpu.memref_slice %arg4[%add3A_69, %dma_start3A_70] : memref<819200x64xf32, #tpu.memory_space<hbm>> -> memref<512x64xf32, #tpu.memory_space<hbm>>
    %dma_start3A_72 = arith.constant 0 : i32
    %dma_start3A_73 = tpu.memref_slice %arg4[%add3A_69, %dma_start3A_72] : memref<819200x64xf32, #tpu.memory_space<hbm>> -> memref<512x64xf32, #tpu.memory_space<hbm>>
    tpu.enqueue_dma source(%arg8 : memref<512x64xf32, #tpu.memory_space<vmem>>) target(%dma_start3A_73 : memref<512x64xf32, #tpu.memory_space<hbm>>) target_semaphore(%arg14 : memref<!tpu.dma_semaphore, #tpu.memory_space<semaphore_mem>>)
    %dma_wait3A_74 = arith.constant 1024 : i32
    %dma_wait3A_75 = tpu.memref_slice %arg6[%dma_wait3A_74] : memref<12800xi32, #tpu.memory_space<vmem>> -> memref<512xi32, #tpu.memory_space<vmem>>
    %dma_wait3A_76 = arith.constant 0 : i32
    %dma_wait3A_77 = arith.constant 0 : i32
    %dma_wait3A_78 = tpu.memref_slice %arg5[%dma_wait3A_76, %dma_wait3A_77] : memref<272x64xf32, #tpu.memory_space<vmem_shared>> -> memref<272x64xf32, #tpu.memory_space<vmem_shared>>
    tpu.wait_indirect_dma semaphore(%arg12 : memref<!tpu.dma_semaphore, #tpu.memory_space<semaphore_mem>>) src(%dma_wait3A_78 : memref<272x64xf32, #tpu.memory_space<vmem_shared>>) dst(%arg9 : memref<512x64xf32, #tpu.memory_space<vmem>>)
    %add3A_79 = arith.constant 512 : i32
    %add3A_80 = arith.addi %add3A_4, %add3A_79 : i32
    %dma_wait3A_81 = arith.constant 0 : i32
    %dma_wait3A_82 = tpu.memref_slice %arg4[%add3A_80, %dma_wait3A_81] : memref<819200x64xf32, #tpu.memory_space<hbm>> -> memref<512x64xf32, #tpu.memory_space<hbm>>
    %dma_wait3A_83 = arith.constant 0 : i32
    %dma_wait3A_84 = tpu.memref_slice %arg4[%add3A_80, %dma_wait3A_83] : memref<819200x64xf32, #tpu.memory_space<hbm>> -> memref<512x64xf32, #tpu.memory_space<hbm>>
    tpu.wait_dma2 semaphore(%arg14 : memref<!tpu.dma_semaphore, #tpu.memory_space<semaphore_mem>>) src(%arg8 : memref<512x64xf32, #tpu.memory_space<vmem>>) dst(%dma_wait3A_84 : memref<512x64xf32, #tpu.memory_space<hbm>>)
    %dma_start3A_85 = arith.constant 2048 : i32
    %dma_start3A_86 = tpu.memref_slice %arg6[%dma_start3A_85] : memref<12800xi32, #tpu.memory_space<vmem>> -> memref<512xi32, #tpu.memory_space<vmem>>
    %dma_start3A_87 = arith.constant 0 : i32
    %dma_start3A_88 = arith.constant 0 : i32
    %dma_start3A_89 = tpu.memref_slice %arg5[%dma_start3A_87, %dma_start3A_88] : memref<272x64xf32, #tpu.memory_space<vmem_shared>> -> memref<272x64xf32, #tpu.memory_space<vmem_shared>>
    tpu.enqueue_indirect_dma source(%dma_start3A_89 : memref<272x64xf32, #tpu.memory_space<vmem_shared>>) target(%arg8 : memref<512x64xf32, #tpu.memory_space<vmem>>) offsets(%dma_start3A_86 : memref<512xi32, #tpu.memory_space<vmem>>) semaphore(%arg11 : memref<!tpu.dma_semaphore, #tpu.memory_space<semaphore_mem>>)
    %add3A_90 = arith.constant 1024 : i32
    %add3A_91 = arith.addi %add3A_4, %add3A_90 : i32
    %dma_start3A_92 = arith.constant 0 : i32
    %dma_start3A_93 = tpu.memref_slice %arg4[%add3A_91, %dma_start3A_92] : memref<819200x64xf32, #tpu.memory_space<hbm>> -> memref<512x64xf32, #tpu.memory_space<hbm>>
    %dma_start3A_94 = arith.constant 0 : i32
    %dma_start3A_95 = tpu.memref_slice %arg4[%add3A_91, %dma_start3A_94] : memref<819200x64xf32, #tpu.memory_space<hbm>> -> memref<512x64xf32, #tpu.memory_space<hbm>>
    tpu.enqueue_dma source(%arg9 : memref<512x64xf32, #tpu.memory_space<vmem>>) target(%dma_start3A_95 : memref<512x64xf32, #tpu.memory_space<hbm>>) target_semaphore(%arg15 : memref<!tpu.dma_semaphore, #tpu.memory_space<semaphore_mem>>)
    %dma_wait3A_96 = arith.constant 1536 : i32
    %dma_wait3A_97 = tpu.memref_slice %arg6[%dma_wait3A_96] : memref<12800xi32, #tpu.memory_space<vmem>> -> memref<512xi32, #tpu.memory_space<vmem>>
    %dma_wait3A_98 = arith.constant 0 : i32
    %dma_wait3A_99 = arith.constant 0 : i32
    %dma_wait3A_100 = tpu.memref_slice %arg5[%dma_wait3A_98, %dma_wait3A_99] : memref<272x64xf32, #tpu.memory_space<vmem_shared>> -> memref<272x64xf32, #tpu.memory_space<vmem_shared>>
    tpu.wait_indirect_dma semaphore(%arg10 : memref<!tpu.dma_semaphore, #tpu.memory_space<semaphore_mem>>) src(%dma_wait3A_100 : memref<272x64xf32, #tpu.memory_space<vmem_shared>>) dst(%arg7 : memref<512x64xf32, #tpu.memory_space<vmem>>)
    %add3A_101 = arith.constant 1024 : i32
    %add3A_102 = arith.addi %add3A_4, %add3A_101 : i32
    %dma_wait3A_103 = arith.constant 0 : i32
    %dma_wait3A_104 = tpu.memref_slice %arg4[%add3A_102, %dma_wait3A_103] : memref<819200x64xf32, #tpu.memory_space<hbm>> -> memref<512x64xf32, #tpu.memory_space<hbm>>
    %dma_wait3A_105 = arith.constant 0 : i32
    %dma_wait3A_106 = tpu.memref_slice %arg4[%add3A_102, %dma_wait3A_105] : memref<819200x64xf32, #tpu.memory_space<hbm>> -> memref<512x64xf32, #tpu.memory_space<hbm>>
    tpu.wait_dma2 semaphore(%arg15 : memref<!tpu.dma_semaphore, #tpu.memory_space<semaphore_mem>>) src(%arg9 : memref<512x64xf32, #tpu.memory_space<vmem>>) dst(%dma_wait3A_106 : memref<512x64xf32, #tpu.memory_space<hbm>>)
    %dma_start3A_107 = arith.constant 2560 : i32
    %dma_start3A_108 = tpu.memref_slice %arg6[%dma_start3A_107] : memref<12800xi32, #tpu.memory_space<vmem>> -> memref<512xi32, #tpu.memory_space<vmem>>
    %dma_start3A_109 = arith.constant 0 : i32
    %dma_start3A_110 = arith.constant 0 : i32
    %dma_start3A_111 = tpu.memref_slice %arg5[%dma_start3A_109, %dma_start3A_110] : memref<272x64xf32, #tpu.memory_space<vmem_shared>> -> memref<272x64xf32, #tpu.memory_space<vmem_shared>>
    tpu.enqueue_indirect_dma source(%dma_start3A_111 : memref<272x64xf32, #tpu.memory_space<vmem_shared>>) target(%arg9 : memref<512x64xf32, #tpu.memory_space<vmem>>) offsets(%dma_start3A_108 : memref<512xi32, #tpu.memory_space<vmem>>) semaphore(%arg12 : memref<!tpu.dma_semaphore, #tpu.memory_space<semaphore_mem>>)
    %add3A_112 = arith.constant 1536 : i32
    %add3A_113 = arith.addi %add3A_4, %add3A_112 : i32
    %dma_start3A_114 = arith.constant 0 : i32
    %dma_start3A_115 = tpu.memref_slice %arg4[%add3A_113, %dma_start3A_114] : memref<819200x64xf32, #tpu.memory_space<hbm>> -> memref<512x64xf32, #tpu.memory_space<hbm>>
    %dma_start3A_116 = arith.constant 0 : i32
    %dma_start3A_117 = tpu.memref_slice %arg4[%add3A_113, %dma_start3A_116] : memref<819200x64xf32, #tpu.memory_space<hbm>> -> memref<512x64xf32, #tpu.memory_space<hbm>>
    tpu.enqueue_dma source(%arg7 : memref<512x64xf32, #tpu.memory_space<vmem>>) target(%dma_start3A_117 : memref<512x64xf32, #tpu.memory_space<hbm>>) target_semaphore(%arg13 : memref<!tpu.dma_semaphore, #tpu.memory_space<semaphore_mem>>)
    %dma_wait3A_118 = arith.constant 2048 : i32
    %dma_wait3A_119 = tpu.memref_slice %arg6[%dma_wait3A_118] : memref<12800xi32, #tpu.memory_space<vmem>> -> memref<512xi32, #tpu.memory_space<vmem>>
    %dma_wait3A_120 = arith.constant 0 : i32
    %dma_wait3A_121 = arith.constant 0 : i32
    %dma_wait3A_122 = tpu.memref_slice %arg5[%dma_wait3A_120, %dma_wait3A_121] : memref<272x64xf32, #tpu.memory_space<vmem_shared>> -> memref<272x64xf32, #tpu.memory_space<vmem_shared>>
    tpu.wait_indirect_dma semaphore(%arg11 : memref<!tpu.dma_semaphore, #tpu.memory_space<semaphore_mem>>) src(%dma_wait3A_122 : memref<272x64xf32, #tpu.memory_space<vmem_shared>>) dst(%arg8 : memref<512x64xf32, #tpu.memory_space<vmem>>)
    %add3A_123 = arith.constant 1536 : i32
    %add3A_124 = arith.addi %add3A_4, %add3A_123 : i32
    %dma_wait3A_125 = arith.constant 0 : i32
    %dma_wait3A_126 = tpu.memref_slice %arg4[%add3A_124, %dma_wait3A_125] : memref<819200x64xf32, #tpu.memory_space<hbm>> -> memref<512x64xf32, #tpu.memory_space<hbm>>
    %dma_wait3A_127 = arith.constant 0 : i32
    %dma_wait3A_128 = tpu.memref_slice %arg4[%add3A_124, %dma_wait3A_127] : memref<819200x64xf32, #tpu.memory_space<hbm>> -> memref<512x64xf32, #tpu.memory_space<hbm>>
    tpu.wait_dma2 semaphore(%arg13 : memref<!tpu.dma_semaphore, #tpu.memory_space<semaphore_mem>>) src(%arg7 : memref<512x64xf32, #tpu.memory_space<vmem>>) dst(%dma_wait3A_128 : memref<512x64xf32, #tpu.memory_space<hbm>>)
    %dma_start3A_129 = arith.constant 3072 : i32
    %dma_start3A_130 = tpu.memref_slice %arg6[%dma_start3A_129] : memref<12800xi32, #tpu.memory_space<vmem>> -> memref<512xi32, #tpu.memory_space<vmem>>
    %dma_start3A_131 = arith.constant 0 : i32
    %dma_start3A_132 = arith.constant 0 : i32
    %dma_start3A_133 = tpu.memref_slice %arg5[%dma_start3A_131, %dma_start3A_132] : memref<272x64xf32, #tpu.memory_space<vmem_shared>> -> memref<272x64xf32, #tpu.memory_space<vmem_shared>>
    tpu.enqueue_indirect_dma source(%dma_start3A_133 : memref<272x64xf32, #tpu.memory_space<vmem_shared>>) target(%arg7 : memref<512x64xf32, #tpu.memory_space<vmem>>) offsets(%dma_start3A_130 : memref<512xi32, #tpu.memory_space<vmem>>) semaphore(%arg10 : memref<!tpu.dma_semaphore, #tpu.memory_space<semaphore_mem>>)
    %add3A_134 = arith.constant 2048 : i32
    %add3A_135 = arith.addi %add3A_4, %add3A_134 : i32
    %dma_start3A_136 = arith.constant 0 : i32
    %dma_start3A_137 = tpu.memref_slice %arg4[%add3A_135, %dma_start3A_136] : memref<819200x64xf32, #tpu.memory_space<hbm>> -> memref<512x64xf32, #tpu.memory_space<hbm>>
    %dma_start3A_138 = arith.constant 0 : i32
    %dma_start3A_139 = tpu.memref_slice %arg4[%add3A_135, %dma_start3A_138] : memref<819200x64xf32, #tpu.memory_space<hbm>> -> memref<512x64xf32, #tpu.memory_space<hbm>>
    tpu.enqueue_dma source(%arg8 : memref<512x64xf32, #tpu.memory_space<vmem>>) target(%dma_start3A_139 : memref<512x64xf32, #tpu.memory_space<hbm>>) target_semaphore(%arg14 : memref<!tpu.dma_semaphore, #tpu.memory_space<semaphore_mem>>)
    %dma_wait3A_140 = arith.constant 2560 : i32
    %dma_wait3A_141 = tpu.memref_slice %arg6[%dma_wait3A_140] : memref<12800xi32, #tpu.memory_space<vmem>> -> memref<512xi32, #tpu.memory_space<vmem>>
    %dma_wait3A_142 = arith.constant 0 : i32
    %dma_wait3A_143 = arith.constant 0 : i32
    %dma_wait3A_144 = tpu.memref_slice %arg5[%dma_wait3A_142, %dma_wait3A_143] : memref<272x64xf32, #tpu.memory_space<vmem_shared>> -> memref<272x64xf32, #tpu.memory_space<vmem_shared>>
    tpu.wait_indirect_dma semaphore(%arg12 : memref<!tpu.dma_semaphore, #tpu.memory_space<semaphore_mem>>) src(%dma_wait3A_144 : memref<272x64xf32, #tpu.memory_space<vmem_shared>>) dst(%arg9 : memref<512x64xf32, #tpu.memory_space<vmem>>)
    %add3A_145 = arith.constant 2048 : i32
    %add3A_146 = arith.addi %add3A_4, %add3A_145 : i32
    %dma_wait3A_147 = arith.constant 0 : i32
    %dma_wait3A_148 = tpu.memref_slice %arg4[%add3A_146, %dma_wait3A_147] : memref<819200x64xf32, #tpu.memory_space<hbm>> -> memref<512x64xf32, #tpu.memory_space<hbm>>
    %dma_wait3A_149 = arith.constant 0 : i32
    %dma_wait3A_150 = tpu.memref_slice %arg4[%add3A_146, %dma_wait3A_149] : memref<819200x64xf32, #tpu.memory_space<hbm>> -> memref<512x64xf32, #tpu.memory_space<hbm>>
    tpu.wait_dma2 semaphore(%arg14 : memref<!tpu.dma_semaphore, #tpu.memory_space<semaphore_mem>>) src(%arg8 : memref<512x64xf32, #tpu.memory_space<vmem>>) dst(%dma_wait3A_150 : memref<512x64xf32, #tpu.memory_space<hbm>>)
    %dma_start3A_151 = arith.constant 3584 : i32
    %dma_start3A_152 = tpu.memref_slice %arg6[%dma_start3A_151] : memref<12800xi32, #tpu.memory_space<vmem>> -> memref<512xi32, #tpu.memory_space<vmem>>
    %dma_start3A_153 = arith.constant 0 : i32
    %dma_start3A_154 = arith.constant 0 : i32
    %dma_start3A_155 = tpu.memref_slice %arg5[%dma_start3A_153, %dma_start3A_154] : memref<272x64xf32, #tpu.memory_space<vmem_shared>> -> memref<272x64xf32, #tpu.memory_space<vmem_shared>>
    tpu.enqueue_indirect_dma source(%dma_start3A_155 : memref<272x64xf32, #tpu.memory_space<vmem_shared>>) target(%arg8 : memref<512x64xf32, #tpu.memory_space<vmem>>) offsets(%dma_start3A_152 : memref<512xi32, #tpu.memory_space<vmem>>) semaphore(%arg11 : memref<!tpu.dma_semaphore, #tpu.memory_space<semaphore_mem>>)
    %add3A_156 = arith.constant 2560 : i32
    %add3A_157 = arith.addi %add3A_4, %add3A_156 : i32
    %dma_start3A_158 = arith.constant 0 : i32
    %dma_start3A_159 = tpu.memref_slice %arg4[%add3A_157, %dma_start3A_158] : memref<819200x64xf32, #tpu.memory_space<hbm>> -> memref<512x64xf32, #tpu.memory_space<hbm>>
    %dma_start3A_160 = arith.constant 0 : i32
    %dma_start3A_161 = tpu.memref_slice %arg4[%add3A_157, %dma_start3A_160] : memref<819200x64xf32, #tpu.memory_space<hbm>> -> memref<512x64xf32, #tpu.memory_space<hbm>>
    tpu.enqueue_dma source(%arg9 : memref<512x64xf32, #tpu.memory_space<vmem>>) target(%dma_start3A_161 : memref<512x64xf32, #tpu.memory_space<hbm>>) target_semaphore(%arg15 : memref<!tpu.dma_semaphore, #tpu.memory_space<semaphore_mem>>)
    %dma_wait3A_162 = arith.constant 3072 : i32
    %dma_wait3A_163 = tpu.memref_slice %arg6[%dma_wait3A_162] : memref<12800xi32, #tpu.memory_space<vmem>> -> memref<512xi32, #tpu.memory_space<vmem>>
    %dma_wait3A_164 = arith.constant 0 : i32
    %dma_wait3A_165 = arith.constant 0 : i32
    %dma_wait3A_166 = tpu.memref_slice %arg5[%dma_wait3A_164, %dma_wait3A_165] : memref<272x64xf32, #tpu.memory_space<vmem_shared>> -> memref<272x64xf32, #tpu.memory_space<vmem_shared>>
    tpu.wait_indirect_dma semaphore(%arg10 : memref<!tpu.dma_semaphore, #tpu.memory_space<semaphore_mem>>) src(%dma_wait3A_166 : memref<272x64xf32, #tpu.memory_space<vmem_shared>>) dst(%arg7 : memref<512x64xf32, #tpu.memory_space<vmem>>)
    %add3A_167 = arith.constant 2560 : i32
    %add3A_168 = arith.addi %add3A_4, %add3A_167 : i32
    %dma_wait3A_169 = arith.constant 0 : i32
    %dma_wait3A_170 = tpu.memref_slice %arg4[%add3A_168, %dma_wait3A_169] : memref<819200x64xf32, #tpu.memory_space<hbm>> -> memref<512x64xf32, #tpu.memory_space<hbm>>
    %dma_wait3A_171 = arith.constant 0 : i32
    %dma_wait3A_172 = tpu.memref_slice %arg4[%add3A_168, %dma_wait3A_171] : memref<819200x64xf32, #tpu.memory_space<hbm>> -> memref<512x64xf32, #tpu.memory_space<hbm>>
    tpu.wait_dma2 semaphore(%arg15 : memref<!tpu.dma_semaphore, #tpu.memory_space<semaphore_mem>>) src(%arg9 : memref<512x64xf32, #tpu.memory_space<vmem>>) dst(%dma_wait3A_172 : memref<512x64xf32, #tpu.memory_space<hbm>>)
    %dma_start3A_173 = arith.constant 4096 : i32
    %dma_start3A_174 = tpu.memref_slice %arg6[%dma_start3A_173] : memref<12800xi32, #tpu.memory_space<vmem>> -> memref<512xi32, #tpu.memory_space<vmem>>
    %dma_start3A_175 = arith.constant 0 : i32
    %dma_start3A_176 = arith.constant 0 : i32
    %dma_start3A_177 = tpu.memref_slice %arg5[%dma_start3A_175, %dma_start3A_176] : memref<272x64xf32, #tpu.memory_space<vmem_shared>> -> memref<272x64xf32, #tpu.memory_space<vmem_shared>>
    tpu.enqueue_indirect_dma source(%dma_start3A_177 : memref<272x64xf32, #tpu.memory_space<vmem_shared>>) target(%arg9 : memref<512x64xf32, #tpu.memory_space<vmem>>) offsets(%dma_start3A_174 : memref<512xi32, #tpu.memory_space<vmem>>) semaphore(%arg12 : memref<!tpu.dma_semaphore, #tpu.memory_space<semaphore_mem>>)
    %add3A_178 = arith.constant 3072 : i32
    %add3A_179 = arith.addi %add3A_4, %add3A_178 : i32
    %dma_start3A_180 = arith.constant 0 : i32
    %dma_start3A_181 = tpu.memref_slice %arg4[%add3A_179, %dma_start3A_180] : memref<819200x64xf32, #tpu.memory_space<hbm>> -> memref<512x64xf32, #tpu.memory_space<hbm>>
    %dma_start3A_182 = arith.constant 0 : i32
    %dma_start3A_183 = tpu.memref_slice %arg4[%add3A_179, %dma_start3A_182] : memref<819200x64xf32, #tpu.memory_space<hbm>> -> memref<512x64xf32, #tpu.memory_space<hbm>>
    tpu.enqueue_dma source(%arg7 : memref<512x64xf32, #tpu.memory_space<vmem>>) target(%dma_start3A_183 : memref<512x64xf32, #tpu.memory_space<hbm>>) target_semaphore(%arg13 : memref<!tpu.dma_semaphore, #tpu.memory_space<semaphore_mem>>)
    %dma_wait3A_184 = arith.constant 3584 : i32
    %dma_wait3A_185 = tpu.memref_slice %arg6[%dma_wait3A_184] : memref<12800xi32, #tpu.memory_space<vmem>> -> memref<512xi32, #tpu.memory_space<vmem>>
    %dma_wait3A_186 = arith.constant 0 : i32
    %dma_wait3A_187 = arith.constant 0 : i32
    %dma_wait3A_188 = tpu.memref_slice %arg5[%dma_wait3A_186, %dma_wait3A_187] : memref<272x64xf32, #tpu.memory_space<vmem_shared>> -> memref<272x64xf32, #tpu.memory_space<vmem_shared>>
    tpu.wait_indirect_dma semaphore(%arg11 : memref<!tpu.dma_semaphore, #tpu.memory_space<semaphore_mem>>) src(%dma_wait3A_188 : memref<272x64xf32, #tpu.memory_space<vmem_shared>>) dst(%arg8 : memref<512x64xf32, #tpu.memory_space<vmem>>)
    %add3A_189 = arith.constant 3072 : i32
    %add3A_190 = arith.addi %add3A_4, %add3A_189 : i32
    %dma_wait3A_191 = arith.constant 0 : i32
    %dma_wait3A_192 = tpu.memref_slice %arg4[%add3A_190, %dma_wait3A_191] : memref<819200x64xf32, #tpu.memory_space<hbm>> -> memref<512x64xf32, #tpu.memory_space<hbm>>
    %dma_wait3A_193 = arith.constant 0 : i32
    %dma_wait3A_194 = tpu.memref_slice %arg4[%add3A_190, %dma_wait3A_193] : memref<819200x64xf32, #tpu.memory_space<hbm>> -> memref<512x64xf32, #tpu.memory_space<hbm>>
    tpu.wait_dma2 semaphore(%arg13 : memref<!tpu.dma_semaphore, #tpu.memory_space<semaphore_mem>>) src(%arg7 : memref<512x64xf32, #tpu.memory_space<vmem>>) dst(%dma_wait3A_194 : memref<512x64xf32, #tpu.memory_space<hbm>>)
    %dma_start3A_195 = arith.constant 4608 : i32
    %dma_start3A_196 = tpu.memref_slice %arg6[%dma_start3A_195] : memref<12800xi32, #tpu.memory_space<vmem>> -> memref<512xi32, #tpu.memory_space<vmem>>
    %dma_start3A_197 = arith.constant 0 : i32
    %dma_start3A_198 = arith.constant 0 : i32
    %dma_start3A_199 = tpu.memref_slice %arg5[%dma_start3A_197, %dma_start3A_198] : memref<272x64xf32, #tpu.memory_space<vmem_shared>> -> memref<272x64xf32, #tpu.memory_space<vmem_shared>>
    tpu.enqueue_indirect_dma source(%dma_start3A_199 : memref<272x64xf32, #tpu.memory_space<vmem_shared>>) target(%arg7 : memref<512x64xf32, #tpu.memory_space<vmem>>) offsets(%dma_start3A_196 : memref<512xi32, #tpu.memory_space<vmem>>) semaphore(%arg10 : memref<!tpu.dma_semaphore, #tpu.memory_space<semaphore_mem>>)
    %add3A_200 = arith.constant 3584 : i32
    %add3A_201 = arith.addi %add3A_4, %add3A_200 : i32
    %dma_start3A_202 = arith.constant 0 : i32
    %dma_start3A_203 = tpu.memref_slice %arg4[%add3A_201, %dma_start3A_202] : memref<819200x64xf32, #tpu.memory_space<hbm>> -> memref<512x64xf32, #tpu.memory_space<hbm>>
    %dma_start3A_204 = arith.constant 0 : i32
    %dma_start3A_205 = tpu.memref_slice %arg4[%add3A_201, %dma_start3A_204] : memref<819200x64xf32, #tpu.memory_space<hbm>> -> memref<512x64xf32, #tpu.memory_space<hbm>>
    tpu.enqueue_dma source(%arg8 : memref<512x64xf32, #tpu.memory_space<vmem>>) target(%dma_start3A_205 : memref<512x64xf32, #tpu.memory_space<hbm>>) target_semaphore(%arg14 : memref<!tpu.dma_semaphore, #tpu.memory_space<semaphore_mem>>)
    %dma_wait3A_206 = arith.constant 4096 : i32
    %dma_wait3A_207 = tpu.memref_slice %arg6[%dma_wait3A_206] : memref<12800xi32, #tpu.memory_space<vmem>> -> memref<512xi32, #tpu.memory_space<vmem>>
    %dma_wait3A_208 = arith.constant 0 : i32
    %dma_wait3A_209 = arith.constant 0 : i32
    %dma_wait3A_210 = tpu.memref_slice %arg5[%dma_wait3A_208, %dma_wait3A_209] : memref<272x64xf32, #tpu.memory_space<vmem_shared>> -> memref<272x64xf32, #tpu.memory_space<vmem_shared>>
    tpu.wait_indirect_dma semaphore(%arg12 : memref<!tpu.dma_semaphore, #tpu.memory_space<semaphore_mem>>) src(%dma_wait3A_210 : memref<272x64xf32, #tpu.memory_space<vmem_shared>>) dst(%arg9 : memref<512x64xf32, #tpu.memory_space<vmem>>)
    %add3A_211 = arith.constant 3584 : i32
    %add3A_212 = arith.addi %add3A_4, %add3A_211 : i32
    %dma_wait3A_213 = arith.constant 0 : i32
    %dma_wait3A_214 = tpu.memref_slice %arg4[%add3A_212, %dma_wait3A_213] : memref<819200x64xf32, #tpu.memory_space<hbm>> -> memref<512x64xf32, #tpu.memory_space<hbm>>
    %dma_wait3A_215 = arith.constant 0 : i32
    %dma_wait3A_216 = tpu.memref_slice %arg4[%add3A_212, %dma_wait3A_215] : memref<819200x64xf32, #tpu.memory_space<hbm>> -> memref<512x64xf32, #tpu.memory_space<hbm>>
    tpu.wait_dma2 semaphore(%arg14 : memref<!tpu.dma_semaphore, #tpu.memory_space<semaphore_mem>>) src(%arg8 : memref<512x64xf32, #tpu.memory_space<vmem>>) dst(%dma_wait3A_216 : memref<512x64xf32, #tpu.memory_space<hbm>>)
    %dma_start3A_217 = arith.constant 5120 : i32
    %dma_start3A_218 = tpu.memref_slice %arg6[%dma_start3A_217] : memref<12800xi32, #tpu.memory_space<vmem>> -> memref<512xi32, #tpu.memory_space<vmem>>
    %dma_start3A_219 = arith.constant 0 : i32
    %dma_start3A_220 = arith.constant 0 : i32
    %dma_start3A_221 = tpu.memref_slice %arg5[%dma_start3A_219, %dma_start3A_220] : memref<272x64xf32, #tpu.memory_space<vmem_shared>> -> memref<272x64xf32, #tpu.memory_space<vmem_shared>>
    tpu.enqueue_indirect_dma source(%dma_start3A_221 : memref<272x64xf32, #tpu.memory_space<vmem_shared>>) target(%arg8 : memref<512x64xf32, #tpu.memory_space<vmem>>) offsets(%dma_start3A_218 : memref<512xi32, #tpu.memory_space<vmem>>) semaphore(%arg11 : memref<!tpu.dma_semaphore, #tpu.memory_space<semaphore_mem>>)
    %add3A_222 = arith.constant 4096 : i32
    %add3A_223 = arith.addi %add3A_4, %add3A_222 : i32
    %dma_start3A_224 = arith.constant 0 : i32
    %dma_start3A_225 = tpu.memref_slice %arg4[%add3A_223, %dma_start3A_224] : memref<819200x64xf32, #tpu.memory_space<hbm>> -> memref<512x64xf32, #tpu.memory_space<hbm>>
    %dma_start3A_226 = arith.constant 0 : i32
    %dma_start3A_227 = tpu.memref_slice %arg4[%add3A_223, %dma_start3A_226] : memref<819200x64xf32, #tpu.memory_space<hbm>> -> memref<512x64xf32, #tpu.memory_space<hbm>>
    tpu.enqueue_dma source(%arg9 : memref<512x64xf32, #tpu.memory_space<vmem>>) target(%dma_start3A_227 : memref<512x64xf32, #tpu.memory_space<hbm>>) target_semaphore(%arg15 : memref<!tpu.dma_semaphore, #tpu.memory_space<semaphore_mem>>)
    %dma_wait3A_228 = arith.constant 4608 : i32
    %dma_wait3A_229 = tpu.memref_slice %arg6[%dma_wait3A_228] : memref<12800xi32, #tpu.memory_space<vmem>> -> memref<512xi32, #tpu.memory_space<vmem>>
    %dma_wait3A_230 = arith.constant 0 : i32
    %dma_wait3A_231 = arith.constant 0 : i32
    %dma_wait3A_232 = tpu.memref_slice %arg5[%dma_wait3A_230, %dma_wait3A_231] : memref<272x64xf32, #tpu.memory_space<vmem_shared>> -> memref<272x64xf32, #tpu.memory_space<vmem_shared>>
    tpu.wait_indirect_dma semaphore(%arg10 : memref<!tpu.dma_semaphore, #tpu.memory_space<semaphore_mem>>) src(%dma_wait3A_232 : memref<272x64xf32, #tpu.memory_space<vmem_shared>>) dst(%arg7 : memref<512x64xf32, #tpu.memory_space<vmem>>)
    %add3A_233 = arith.constant 4096 : i32
    %add3A_234 = arith.addi %add3A_4, %add3A_233 : i32
    %dma_wait3A_235 = arith.constant 0 : i32
    %dma_wait3A_236 = tpu.memref_slice %arg4[%add3A_234, %dma_wait3A_235] : memref<819200x64xf32, #tpu.memory_space<hbm>> -> memref<512x64xf32, #tpu.memory_space<hbm>>
    %dma_wait3A_237 = arith.constant 0 : i32
    %dma_wait3A_238 = tpu.memref_slice %arg4[%add3A_234, %dma_wait3A_237] : memref<819200x64xf32, #tpu.memory_space<hbm>> -> memref<512x64xf32, #tpu.memory_space<hbm>>
    tpu.wait_dma2 semaphore(%arg15 : memref<!tpu.dma_semaphore, #tpu.memory_space<semaphore_mem>>) src(%arg9 : memref<512x64xf32, #tpu.memory_space<vmem>>) dst(%dma_wait3A_238 : memref<512x64xf32, #tpu.memory_space<hbm>>)
    %dma_start3A_239 = arith.constant 5632 : i32
    %dma_start3A_240 = tpu.memref_slice %arg6[%dma_start3A_239] : memref<12800xi32, #tpu.memory_space<vmem>> -> memref<512xi32, #tpu.memory_space<vmem>>
    %dma_start3A_241 = arith.constant 0 : i32
    %dma_start3A_242 = arith.constant 0 : i32
    %dma_start3A_243 = tpu.memref_slice %arg5[%dma_start3A_241, %dma_start3A_242] : memref<272x64xf32, #tpu.memory_space<vmem_shared>> -> memref<272x64xf32, #tpu.memory_space<vmem_shared>>
    tpu.enqueue_indirect_dma source(%dma_start3A_243 : memref<272x64xf32, #tpu.memory_space<vmem_shared>>) target(%arg9 : memref<512x64xf32, #tpu.memory_space<vmem>>) offsets(%dma_start3A_240 : memref<512xi32, #tpu.memory_space<vmem>>) semaphore(%arg12 : memref<!tpu.dma_semaphore, #tpu.memory_space<semaphore_mem>>)
    %add3A_244 = arith.constant 4608 : i32
    %add3A_245 = arith.addi %add3A_4, %add3A_244 : i32
    %dma_start3A_246 = arith.constant 0 : i32
    %dma_start3A_247 = tpu.memref_slice %arg4[%add3A_245, %dma_start3A_246] : memref<819200x64xf32, #tpu.memory_space<hbm>> -> memref<512x64xf32, #tpu.memory_space<hbm>>
    %dma_start3A_248 = arith.constant 0 : i32
    %dma_start3A_249 = tpu.memref_slice %arg4[%add3A_245, %dma_start3A_248] : memref<819200x64xf32, #tpu.memory_space<hbm>> -> memref<512x64xf32, #tpu.memory_space<hbm>>
    tpu.enqueue_dma source(%arg7 : memref<512x64xf32, #tpu.memory_space<vmem>>) target(%dma_start3A_249 : memref<512x64xf32, #tpu.memory_space<hbm>>) target_semaphore(%arg13 : memref<!tpu.dma_semaphore, #tpu.memory_space<semaphore_mem>>)
    %dma_wait3A_250 = arith.constant 5120 : i32
    %dma_wait3A_251 = tpu.memref_slice %arg6[%dma_wait3A_250] : memref<12800xi32, #tpu.memory_space<vmem>> -> memref<512xi32, #tpu.memory_space<vmem>>
    %dma_wait3A_252 = arith.constant 0 : i32
    %dma_wait3A_253 = arith.constant 0 : i32
    %dma_wait3A_254 = tpu.memref_slice %arg5[%dma_wait3A_252, %dma_wait3A_253] : memref<272x64xf32, #tpu.memory_space<vmem_shared>> -> memref<272x64xf32, #tpu.memory_space<vmem_shared>>
    tpu.wait_indirect_dma semaphore(%arg11 : memref<!tpu.dma_semaphore, #tpu.memory_space<semaphore_mem>>) src(%dma_wait3A_254 : memref<272x64xf32, #tpu.memory_space<vmem_shared>>) dst(%arg8 : memref<512x64xf32, #tpu.memory_space<vmem>>)
    %add3A_255 = arith.constant 4608 : i32
    %add3A_256 = arith.addi %add3A_4, %add3A_255 : i32
    %dma_wait3A_257 = arith.constant 0 : i32
    %dma_wait3A_258 = tpu.memref_slice %arg4[%add3A_256, %dma_wait3A_257] : memref<819200x64xf32, #tpu.memory_space<hbm>> -> memref<512x64xf32, #tpu.memory_space<hbm>>
    %dma_wait3A_259 = arith.constant 0 : i32
    %dma_wait3A_260 = tpu.memref_slice %arg4[%add3A_256, %dma_wait3A_259] : memref<819200x64xf32, #tpu.memory_space<hbm>> -> memref<512x64xf32, #tpu.memory_space<hbm>>
    tpu.wait_dma2 semaphore(%arg13 : memref<!tpu.dma_semaphore, #tpu.memory_space<semaphore_mem>>) src(%arg7 : memref<512x64xf32, #tpu.memory_space<vmem>>) dst(%dma_wait3A_260 : memref<512x64xf32, #tpu.memory_space<hbm>>)
    %dma_start3A_261 = arith.constant 6144 : i32
    %dma_start3A_262 = tpu.memref_slice %arg6[%dma_start3A_261] : memref<12800xi32, #tpu.memory_space<vmem>> -> memref<512xi32, #tpu.memory_space<vmem>>
    %dma_start3A_263 = arith.constant 0 : i32
    %dma_start3A_264 = arith.constant 0 : i32
    %dma_start3A_265 = tpu.memref_slice %arg5[%dma_start3A_263, %dma_start3A_264] : memref<272x64xf32, #tpu.memory_space<vmem_shared>> -> memref<272x64xf32, #tpu.memory_space<vmem_shared>>
    tpu.enqueue_indirect_dma source(%dma_start3A_265 : memref<272x64xf32, #tpu.memory_space<vmem_shared>>) target(%arg7 : memref<512x64xf32, #tpu.memory_space<vmem>>) offsets(%dma_start3A_262 : memref<512xi32, #tpu.memory_space<vmem>>) semaphore(%arg10 : memref<!tpu.dma_semaphore, #tpu.memory_space<semaphore_mem>>)
    %add3A_266 = arith.constant 5120 : i32
    %add3A_267 = arith.addi %add3A_4, %add3A_266 : i32
    %dma_start3A_268 = arith.constant 0 : i32
    %dma_start3A_269 = tpu.memref_slice %arg4[%add3A_267, %dma_start3A_268] : memref<819200x64xf32, #tpu.memory_space<hbm>> -> memref<512x64xf32, #tpu.memory_space<hbm>>
    %dma_start3A_270 = arith.constant 0 : i32
    %dma_start3A_271 = tpu.memref_slice %arg4[%add3A_267, %dma_start3A_270] : memref<819200x64xf32, #tpu.memory_space<hbm>> -> memref<512x64xf32, #tpu.memory_space<hbm>>
    tpu.enqueue_dma source(%arg8 : memref<512x64xf32, #tpu.memory_space<vmem>>) target(%dma_start3A_271 : memref<512x64xf32, #tpu.memory_space<hbm>>) target_semaphore(%arg14 : memref<!tpu.dma_semaphore, #tpu.memory_space<semaphore_mem>>)
    %dma_wait3A_272 = arith.constant 5632 : i32
    %dma_wait3A_273 = tpu.memref_slice %arg6[%dma_wait3A_272] : memref<12800xi32, #tpu.memory_space<vmem>> -> memref<512xi32, #tpu.memory_space<vmem>>
    %dma_wait3A_274 = arith.constant 0 : i32
    %dma_wait3A_275 = arith.constant 0 : i32
    %dma_wait3A_276 = tpu.memref_slice %arg5[%dma_wait3A_274, %dma_wait3A_275] : memref<272x64xf32, #tpu.memory_space<vmem_shared>> -> memref<272x64xf32, #tpu.memory_space<vmem_shared>>
    tpu.wait_indirect_dma semaphore(%arg12 : memref<!tpu.dma_semaphore, #tpu.memory_space<semaphore_mem>>) src(%dma_wait3A_276 : memref<272x64xf32, #tpu.memory_space<vmem_shared>>) dst(%arg9 : memref<512x64xf32, #tpu.memory_space<vmem>>)
    %add3A_277 = arith.constant 5120 : i32
    %add3A_278 = arith.addi %add3A_4, %add3A_277 : i32
    %dma_wait3A_279 = arith.constant 0 : i32
    %dma_wait3A_280 = tpu.memref_slice %arg4[%add3A_278, %dma_wait3A_279] : memref<819200x64xf32, #tpu.memory_space<hbm>> -> memref<512x64xf32, #tpu.memory_space<hbm>>
    %dma_wait3A_281 = arith.constant 0 : i32
    %dma_wait3A_282 = tpu.memref_slice %arg4[%add3A_278, %dma_wait3A_281] : memref<819200x64xf32, #tpu.memory_space<hbm>> -> memref<512x64xf32, #tpu.memory_space<hbm>>
    tpu.wait_dma2 semaphore(%arg14 : memref<!tpu.dma_semaphore, #tpu.memory_space<semaphore_mem>>) src(%arg8 : memref<512x64xf32, #tpu.memory_space<vmem>>) dst(%dma_wait3A_282 : memref<512x64xf32, #tpu.memory_space<hbm>>)
    %dma_start3A_283 = arith.constant 6656 : i32
    %dma_start3A_284 = tpu.memref_slice %arg6[%dma_start3A_283] : memref<12800xi32, #tpu.memory_space<vmem>> -> memref<512xi32, #tpu.memory_space<vmem>>
    %dma_start3A_285 = arith.constant 0 : i32
    %dma_start3A_286 = arith.constant 0 : i32
    %dma_start3A_287 = tpu.memref_slice %arg5[%dma_start3A_285, %dma_start3A_286] : memref<272x64xf32, #tpu.memory_space<vmem_shared>> -> memref<272x64xf32, #tpu.memory_space<vmem_shared>>
    tpu.enqueue_indirect_dma source(%dma_start3A_287 : memref<272x64xf32, #tpu.memory_space<vmem_shared>>) target(%arg8 : memref<512x64xf32, #tpu.memory_space<vmem>>) offsets(%dma_start3A_284 : memref<512xi32, #tpu.memory_space<vmem>>) semaphore(%arg11 : memref<!tpu.dma_semaphore, #tpu.memory_space<semaphore_mem>>)
    %add3A_288 = arith.constant 5632 : i32
    %add3A_289 = arith.addi %add3A_4, %add3A_288 : i32
    %dma_start3A_290 = arith.constant 0 : i32
    %dma_start3A_291 = tpu.memref_slice %arg4[%add3A_289, %dma_start3A_290] : memref<819200x64xf32, #tpu.memory_space<hbm>> -> memref<512x64xf32, #tpu.memory_space<hbm>>
    %dma_start3A_292 = arith.constant 0 : i32
    %dma_start3A_293 = tpu.memref_slice %arg4[%add3A_289, %dma_start3A_292] : memref<819200x64xf32, #tpu.memory_space<hbm>> -> memref<512x64xf32, #tpu.memory_space<hbm>>
    tpu.enqueue_dma source(%arg9 : memref<512x64xf32, #tpu.memory_space<vmem>>) target(%dma_start3A_293 : memref<512x64xf32, #tpu.memory_space<hbm>>) target_semaphore(%arg15 : memref<!tpu.dma_semaphore, #tpu.memory_space<semaphore_mem>>)
    %dma_wait3A_294 = arith.constant 6144 : i32
    %dma_wait3A_295 = tpu.memref_slice %arg6[%dma_wait3A_294] : memref<12800xi32, #tpu.memory_space<vmem>> -> memref<512xi32, #tpu.memory_space<vmem>>
    %dma_wait3A_296 = arith.constant 0 : i32
    %dma_wait3A_297 = arith.constant 0 : i32
    %dma_wait3A_298 = tpu.memref_slice %arg5[%dma_wait3A_296, %dma_wait3A_297] : memref<272x64xf32, #tpu.memory_space<vmem_shared>> -> memref<272x64xf32, #tpu.memory_space<vmem_shared>>
    tpu.wait_indirect_dma semaphore(%arg10 : memref<!tpu.dma_semaphore, #tpu.memory_space<semaphore_mem>>) src(%dma_wait3A_298 : memref<272x64xf32, #tpu.memory_space<vmem_shared>>) dst(%arg7 : memref<512x64xf32, #tpu.memory_space<vmem>>)
    %add3A_299 = arith.constant 5632 : i32
    %add3A_300 = arith.addi %add3A_4, %add3A_299 : i32
    %dma_wait3A_301 = arith.constant 0 : i32
    %dma_wait3A_302 = tpu.memref_slice %arg4[%add3A_300, %dma_wait3A_301] : memref<819200x64xf32, #tpu.memory_space<hbm>> -> memref<512x64xf32, #tpu.memory_space<hbm>>
    %dma_wait3A_303 = arith.constant 0 : i32
    %dma_wait3A_304 = tpu.memref_slice %arg4[%add3A_300, %dma_wait3A_303] : memref<819200x64xf32, #tpu.memory_space<hbm>> -> memref<512x64xf32, #tpu.memory_space<hbm>>
    tpu.wait_dma2 semaphore(%arg15 : memref<!tpu.dma_semaphore, #tpu.memory_space<semaphore_mem>>) src(%arg9 : memref<512x64xf32, #tpu.memory_space<vmem>>) dst(%dma_wait3A_304 : memref<512x64xf32, #tpu.memory_space<hbm>>)
    %dma_start3A_305 = arith.constant 7168 : i32
    %dma_start3A_306 = tpu.memref_slice %arg6[%dma_start3A_305] : memref<12800xi32, #tpu.memory_space<vmem>> -> memref<512xi32, #tpu.memory_space<vmem>>
    %dma_start3A_307 = arith.constant 0 : i32
    %dma_start3A_308 = arith.constant 0 : i32
    %dma_start3A_309 = tpu.memref_slice %arg5[%dma_start3A_307, %dma_start3A_308] : memref<272x64xf32, #tpu.memory_space<vmem_shared>> -> memref<272x64xf32, #tpu.memory_space<vmem_shared>>
    tpu.enqueue_indirect_dma source(%dma_start3A_309 : memref<272x64xf32, #tpu.memory_space<vmem_shared>>) target(%arg9 : memref<512x64xf32, #tpu.memory_space<vmem>>) offsets(%dma_start3A_306 : memref<512xi32, #tpu.memory_space<vmem>>) semaphore(%arg12 : memref<!tpu.dma_semaphore, #tpu.memory_space<semaphore_mem>>)
    %add3A_310 = arith.constant 6144 : i32
    %add3A_311 = arith.addi %add3A_4, %add3A_310 : i32
    %dma_start3A_312 = arith.constant 0 : i32
    %dma_start3A_313 = tpu.memref_slice %arg4[%add3A_311, %dma_start3A_312] : memref<819200x64xf32, #tpu.memory_space<hbm>> -> memref<512x64xf32, #tpu.memory_space<hbm>>
    %dma_start3A_314 = arith.constant 0 : i32
    %dma_start3A_315 = tpu.memref_slice %arg4[%add3A_311, %dma_start3A_314] : memref<819200x64xf32, #tpu.memory_space<hbm>> -> memref<512x64xf32, #tpu.memory_space<hbm>>
    tpu.enqueue_dma source(%arg7 : memref<512x64xf32, #tpu.memory_space<vmem>>) target(%dma_start3A_315 : memref<512x64xf32, #tpu.memory_space<hbm>>) target_semaphore(%arg13 : memref<!tpu.dma_semaphore, #tpu.memory_space<semaphore_mem>>)
    %dma_wait3A_316 = arith.constant 6656 : i32
    %dma_wait3A_317 = tpu.memref_slice %arg6[%dma_wait3A_316] : memref<12800xi32, #tpu.memory_space<vmem>> -> memref<512xi32, #tpu.memory_space<vmem>>
    %dma_wait3A_318 = arith.constant 0 : i32
    %dma_wait3A_319 = arith.constant 0 : i32
    %dma_wait3A_320 = tpu.memref_slice %arg5[%dma_wait3A_318, %dma_wait3A_319] : memref<272x64xf32, #tpu.memory_space<vmem_shared>> -> memref<272x64xf32, #tpu.memory_space<vmem_shared>>
    tpu.wait_indirect_dma semaphore(%arg11 : memref<!tpu.dma_semaphore, #tpu.memory_space<semaphore_mem>>) src(%dma_wait3A_320 : memref<272x64xf32, #tpu.memory_space<vmem_shared>>) dst(%arg8 : memref<512x64xf32, #tpu.memory_space<vmem>>)
    %add3A_321 = arith.constant 6144 : i32
    %add3A_322 = arith.addi %add3A_4, %add3A_321 : i32
    %dma_wait3A_323 = arith.constant 0 : i32
    %dma_wait3A_324 = tpu.memref_slice %arg4[%add3A_322, %dma_wait3A_323] : memref<819200x64xf32, #tpu.memory_space<hbm>> -> memref<512x64xf32, #tpu.memory_space<hbm>>
    %dma_wait3A_325 = arith.constant 0 : i32
    %dma_wait3A_326 = tpu.memref_slice %arg4[%add3A_322, %dma_wait3A_325] : memref<819200x64xf32, #tpu.memory_space<hbm>> -> memref<512x64xf32, #tpu.memory_space<hbm>>
    tpu.wait_dma2 semaphore(%arg13 : memref<!tpu.dma_semaphore, #tpu.memory_space<semaphore_mem>>) src(%arg7 : memref<512x64xf32, #tpu.memory_space<vmem>>) dst(%dma_wait3A_326 : memref<512x64xf32, #tpu.memory_space<hbm>>)
    %dma_start3A_327 = arith.constant 7680 : i32
    %dma_start3A_328 = tpu.memref_slice %arg6[%dma_start3A_327] : memref<12800xi32, #tpu.memory_space<vmem>> -> memref<512xi32, #tpu.memory_space<vmem>>
    %dma_start3A_329 = arith.constant 0 : i32
    %dma_start3A_330 = arith.constant 0 : i32
    %dma_start3A_331 = tpu.memref_slice %arg5[%dma_start3A_329, %dma_start3A_330] : memref<272x64xf32, #tpu.memory_space<vmem_shared>> -> memref<272x64xf32, #tpu.memory_space<vmem_shared>>
    tpu.enqueue_indirect_dma source(%dma_start3A_331 : memref<272x64xf32, #tpu.memory_space<vmem_shared>>) target(%arg7 : memref<512x64xf32, #tpu.memory_space<vmem>>) offsets(%dma_start3A_328 : memref<512xi32, #tpu.memory_space<vmem>>) semaphore(%arg10 : memref<!tpu.dma_semaphore, #tpu.memory_space<semaphore_mem>>)
    %add3A_332 = arith.constant 6656 : i32
    %add3A_333 = arith.addi %add3A_4, %add3A_332 : i32
    %dma_start3A_334 = arith.constant 0 : i32
    %dma_start3A_335 = tpu.memref_slice %arg4[%add3A_333, %dma_start3A_334] : memref<819200x64xf32, #tpu.memory_space<hbm>> -> memref<512x64xf32, #tpu.memory_space<hbm>>
    %dma_start3A_336 = arith.constant 0 : i32
    %dma_start3A_337 = tpu.memref_slice %arg4[%add3A_333, %dma_start3A_336] : memref<819200x64xf32, #tpu.memory_space<hbm>> -> memref<512x64xf32, #tpu.memory_space<hbm>>
    tpu.enqueue_dma source(%arg8 : memref<512x64xf32, #tpu.memory_space<vmem>>) target(%dma_start3A_337 : memref<512x64xf32, #tpu.memory_space<hbm>>) target_semaphore(%arg14 : memref<!tpu.dma_semaphore, #tpu.memory_space<semaphore_mem>>)
    %dma_wait3A_338 = arith.constant 7168 : i32
    %dma_wait3A_339 = tpu.memref_slice %arg6[%dma_wait3A_338] : memref<12800xi32, #tpu.memory_space<vmem>> -> memref<512xi32, #tpu.memory_space<vmem>>
    %dma_wait3A_340 = arith.constant 0 : i32
    %dma_wait3A_341 = arith.constant 0 : i32
    %dma_wait3A_342 = tpu.memref_slice %arg5[%dma_wait3A_340, %dma_wait3A_341] : memref<272x64xf32, #tpu.memory_space<vmem_shared>> -> memref<272x64xf32, #tpu.memory_space<vmem_shared>>
    tpu.wait_indirect_dma semaphore(%arg12 : memref<!tpu.dma_semaphore, #tpu.memory_space<semaphore_mem>>) src(%dma_wait3A_342 : memref<272x64xf32, #tpu.memory_space<vmem_shared>>) dst(%arg9 : memref<512x64xf32, #tpu.memory_space<vmem>>)
    %add3A_343 = arith.constant 6656 : i32
    %add3A_344 = arith.addi %add3A_4, %add3A_343 : i32
    %dma_wait3A_345 = arith.constant 0 : i32
    %dma_wait3A_346 = tpu.memref_slice %arg4[%add3A_344, %dma_wait3A_345] : memref<819200x64xf32, #tpu.memory_space<hbm>> -> memref<512x64xf32, #tpu.memory_space<hbm>>
    %dma_wait3A_347 = arith.constant 0 : i32
    %dma_wait3A_348 = tpu.memref_slice %arg4[%add3A_344, %dma_wait3A_347] : memref<819200x64xf32, #tpu.memory_space<hbm>> -> memref<512x64xf32, #tpu.memory_space<hbm>>
    tpu.wait_dma2 semaphore(%arg14 : memref<!tpu.dma_semaphore, #tpu.memory_space<semaphore_mem>>) src(%arg8 : memref<512x64xf32, #tpu.memory_space<vmem>>) dst(%dma_wait3A_348 : memref<512x64xf32, #tpu.memory_space<hbm>>)
    %dma_start3A_349 = arith.constant 8192 : i32
    %dma_start3A_350 = tpu.memref_slice %arg6[%dma_start3A_349] : memref<12800xi32, #tpu.memory_space<vmem>> -> memref<512xi32, #tpu.memory_space<vmem>>
    %dma_start3A_351 = arith.constant 0 : i32
    %dma_start3A_352 = arith.constant 0 : i32
    %dma_start3A_353 = tpu.memref_slice %arg5[%dma_start3A_351, %dma_start3A_352] : memref<272x64xf32, #tpu.memory_space<vmem_shared>> -> memref<272x64xf32, #tpu.memory_space<vmem_shared>>
    tpu.enqueue_indirect_dma source(%dma_start3A_353 : memref<272x64xf32, #tpu.memory_space<vmem_shared>>) target(%arg8 : memref<512x64xf32, #tpu.memory_space<vmem>>) offsets(%dma_start3A_350 : memref<512xi32, #tpu.memory_space<vmem>>) semaphore(%arg11 : memref<!tpu.dma_semaphore, #tpu.memory_space<semaphore_mem>>)
    %add3A_354 = arith.constant 7168 : i32
    %add3A_355 = arith.addi %add3A_4, %add3A_354 : i32
    %dma_start3A_356 = arith.constant 0 : i32
    %dma_start3A_357 = tpu.memref_slice %arg4[%add3A_355, %dma_start3A_356] : memref<819200x64xf32, #tpu.memory_space<hbm>> -> memref<512x64xf32, #tpu.memory_space<hbm>>
    %dma_start3A_358 = arith.constant 0 : i32
    %dma_start3A_359 = tpu.memref_slice %arg4[%add3A_355, %dma_start3A_358] : memref<819200x64xf32, #tpu.memory_space<hbm>> -> memref<512x64xf32, #tpu.memory_space<hbm>>
    tpu.enqueue_dma source(%arg9 : memref<512x64xf32, #tpu.memory_space<vmem>>) target(%dma_start3A_359 : memref<512x64xf32, #tpu.memory_space<hbm>>) target_semaphore(%arg15 : memref<!tpu.dma_semaphore, #tpu.memory_space<semaphore_mem>>)
    %dma_wait3A_360 = arith.constant 7680 : i32
    %dma_wait3A_361 = tpu.memref_slice %arg6[%dma_wait3A_360] : memref<12800xi32, #tpu.memory_space<vmem>> -> memref<512xi32, #tpu.memory_space<vmem>>
    %dma_wait3A_362 = arith.constant 0 : i32
    %dma_wait3A_363 = arith.constant 0 : i32
    %dma_wait3A_364 = tpu.memref_slice %arg5[%dma_wait3A_362, %dma_wait3A_363] : memref<272x64xf32, #tpu.memory_space<vmem_shared>> -> memref<272x64xf32, #tpu.memory_space<vmem_shared>>
    tpu.wait_indirect_dma semaphore(%arg10 : memref<!tpu.dma_semaphore, #tpu.memory_space<semaphore_mem>>) src(%dma_wait3A_364 : memref<272x64xf32, #tpu.memory_space<vmem_shared>>) dst(%arg7 : memref<512x64xf32, #tpu.memory_space<vmem>>)
    %add3A_365 = arith.constant 7168 : i32
    %add3A_366 = arith.addi %add3A_4, %add3A_365 : i32
    %dma_wait3A_367 = arith.constant 0 : i32
    %dma_wait3A_368 = tpu.memref_slice %arg4[%add3A_366, %dma_wait3A_367] : memref<819200x64xf32, #tpu.memory_space<hbm>> -> memref<512x64xf32, #tpu.memory_space<hbm>>
    %dma_wait3A_369 = arith.constant 0 : i32
    %dma_wait3A_370 = tpu.memref_slice %arg4[%add3A_366, %dma_wait3A_369] : memref<819200x64xf32, #tpu.memory_space<hbm>> -> memref<512x64xf32, #tpu.memory_space<hbm>>
    tpu.wait_dma2 semaphore(%arg15 : memref<!tpu.dma_semaphore, #tpu.memory_space<semaphore_mem>>) src(%arg9 : memref<512x64xf32, #tpu.memory_space<vmem>>) dst(%dma_wait3A_370 : memref<512x64xf32, #tpu.memory_space<hbm>>)
    %dma_start3A_371 = arith.constant 8704 : i32
    %dma_start3A_372 = tpu.memref_slice %arg6[%dma_start3A_371] : memref<12800xi32, #tpu.memory_space<vmem>> -> memref<512xi32, #tpu.memory_space<vmem>>
    %dma_start3A_373 = arith.constant 0 : i32
    %dma_start3A_374 = arith.constant 0 : i32
    %dma_start3A_375 = tpu.memref_slice %arg5[%dma_start3A_373, %dma_start3A_374] : memref<272x64xf32, #tpu.memory_space<vmem_shared>> -> memref<272x64xf32, #tpu.memory_space<vmem_shared>>
    tpu.enqueue_indirect_dma source(%dma_start3A_375 : memref<272x64xf32, #tpu.memory_space<vmem_shared>>) target(%arg9 : memref<512x64xf32, #tpu.memory_space<vmem>>) offsets(%dma_start3A_372 : memref<512xi32, #tpu.memory_space<vmem>>) semaphore(%arg12 : memref<!tpu.dma_semaphore, #tpu.memory_space<semaphore_mem>>)
    %add3A_376 = arith.constant 7680 : i32
    %add3A_377 = arith.addi %add3A_4, %add3A_376 : i32
    %dma_start3A_378 = arith.constant 0 : i32
    %dma_start3A_379 = tpu.memref_slice %arg4[%add3A_377, %dma_start3A_378] : memref<819200x64xf32, #tpu.memory_space<hbm>> -> memref<512x64xf32, #tpu.memory_space<hbm>>
    %dma_start3A_380 = arith.constant 0 : i32
    %dma_start3A_381 = tpu.memref_slice %arg4[%add3A_377, %dma_start3A_380] : memref<819200x64xf32, #tpu.memory_space<hbm>> -> memref<512x64xf32, #tpu.memory_space<hbm>>
    tpu.enqueue_dma source(%arg7 : memref<512x64xf32, #tpu.memory_space<vmem>>) target(%dma_start3A_381 : memref<512x64xf32, #tpu.memory_space<hbm>>) target_semaphore(%arg13 : memref<!tpu.dma_semaphore, #tpu.memory_space<semaphore_mem>>)
    %dma_wait3A_382 = arith.constant 8192 : i32
    %dma_wait3A_383 = tpu.memref_slice %arg6[%dma_wait3A_382] : memref<12800xi32, #tpu.memory_space<vmem>> -> memref<512xi32, #tpu.memory_space<vmem>>
    %dma_wait3A_384 = arith.constant 0 : i32
    %dma_wait3A_385 = arith.constant 0 : i32
    %dma_wait3A_386 = tpu.memref_slice %arg5[%dma_wait3A_384, %dma_wait3A_385] : memref<272x64xf32, #tpu.memory_space<vmem_shared>> -> memref<272x64xf32, #tpu.memory_space<vmem_shared>>
    tpu.wait_indirect_dma semaphore(%arg11 : memref<!tpu.dma_semaphore, #tpu.memory_space<semaphore_mem>>) src(%dma_wait3A_386 : memref<272x64xf32, #tpu.memory_space<vmem_shared>>) dst(%arg8 : memref<512x64xf32, #tpu.memory_space<vmem>>)
    %add3A_387 = arith.constant 7680 : i32
    %add3A_388 = arith.addi %add3A_4, %add3A_387 : i32
    %dma_wait3A_389 = arith.constant 0 : i32
    %dma_wait3A_390 = tpu.memref_slice %arg4[%add3A_388, %dma_wait3A_389] : memref<819200x64xf32, #tpu.memory_space<hbm>> -> memref<512x64xf32, #tpu.memory_space<hbm>>
    %dma_wait3A_391 = arith.constant 0 : i32
    %dma_wait3A_392 = tpu.memref_slice %arg4[%add3A_388, %dma_wait3A_391] : memref<819200x64xf32, #tpu.memory_space<hbm>> -> memref<512x64xf32, #tpu.memory_space<hbm>>
    tpu.wait_dma2 semaphore(%arg13 : memref<!tpu.dma_semaphore, #tpu.memory_space<semaphore_mem>>) src(%arg7 : memref<512x64xf32, #tpu.memory_space<vmem>>) dst(%dma_wait3A_392 : memref<512x64xf32, #tpu.memory_space<hbm>>)
    %dma_start3A_393 = arith.constant 9216 : i32
    %dma_start3A_394 = tpu.memref_slice %arg6[%dma_start3A_393] : memref<12800xi32, #tpu.memory_space<vmem>> -> memref<512xi32, #tpu.memory_space<vmem>>
    %dma_start3A_395 = arith.constant 0 : i32
    %dma_start3A_396 = arith.constant 0 : i32
    %dma_start3A_397 = tpu.memref_slice %arg5[%dma_start3A_395, %dma_start3A_396] : memref<272x64xf32, #tpu.memory_space<vmem_shared>> -> memref<272x64xf32, #tpu.memory_space<vmem_shared>>
    tpu.enqueue_indirect_dma source(%dma_start3A_397 : memref<272x64xf32, #tpu.memory_space<vmem_shared>>) target(%arg7 : memref<512x64xf32, #tpu.memory_space<vmem>>) offsets(%dma_start3A_394 : memref<512xi32, #tpu.memory_space<vmem>>) semaphore(%arg10 : memref<!tpu.dma_semaphore, #tpu.memory_space<semaphore_mem>>)
    %add3A_398 = arith.constant 8192 : i32
    %add3A_399 = arith.addi %add3A_4, %add3A_398 : i32
    %dma_start3A_400 = arith.constant 0 : i32
    %dma_start3A_401 = tpu.memref_slice %arg4[%add3A_399, %dma_start3A_400] : memref<819200x64xf32, #tpu.memory_space<hbm>> -> memref<512x64xf32, #tpu.memory_space<hbm>>
    %dma_start3A_402 = arith.constant 0 : i32
    %dma_start3A_403 = tpu.memref_slice %arg4[%add3A_399, %dma_start3A_402] : memref<819200x64xf32, #tpu.memory_space<hbm>> -> memref<512x64xf32, #tpu.memory_space<hbm>>
    tpu.enqueue_dma source(%arg8 : memref<512x64xf32, #tpu.memory_space<vmem>>) target(%dma_start3A_403 : memref<512x64xf32, #tpu.memory_space<hbm>>) target_semaphore(%arg14 : memref<!tpu.dma_semaphore, #tpu.memory_space<semaphore_mem>>)
    %dma_wait3A_404 = arith.constant 8704 : i32
    %dma_wait3A_405 = tpu.memref_slice %arg6[%dma_wait3A_404] : memref<12800xi32, #tpu.memory_space<vmem>> -> memref<512xi32, #tpu.memory_space<vmem>>
    %dma_wait3A_406 = arith.constant 0 : i32
    %dma_wait3A_407 = arith.constant 0 : i32
    %dma_wait3A_408 = tpu.memref_slice %arg5[%dma_wait3A_406, %dma_wait3A_407] : memref<272x64xf32, #tpu.memory_space<vmem_shared>> -> memref<272x64xf32, #tpu.memory_space<vmem_shared>>
    tpu.wait_indirect_dma semaphore(%arg12 : memref<!tpu.dma_semaphore, #tpu.memory_space<semaphore_mem>>) src(%dma_wait3A_408 : memref<272x64xf32, #tpu.memory_space<vmem_shared>>) dst(%arg9 : memref<512x64xf32, #tpu.memory_space<vmem>>)
    %add3A_409 = arith.constant 8192 : i32
    %add3A_410 = arith.addi %add3A_4, %add3A_409 : i32
    %dma_wait3A_411 = arith.constant 0 : i32
    %dma_wait3A_412 = tpu.memref_slice %arg4[%add3A_410, %dma_wait3A_411] : memref<819200x64xf32, #tpu.memory_space<hbm>> -> memref<512x64xf32, #tpu.memory_space<hbm>>
    %dma_wait3A_413 = arith.constant 0 : i32
    %dma_wait3A_414 = tpu.memref_slice %arg4[%add3A_410, %dma_wait3A_413] : memref<819200x64xf32, #tpu.memory_space<hbm>> -> memref<512x64xf32, #tpu.memory_space<hbm>>
    tpu.wait_dma2 semaphore(%arg14 : memref<!tpu.dma_semaphore, #tpu.memory_space<semaphore_mem>>) src(%arg8 : memref<512x64xf32, #tpu.memory_space<vmem>>) dst(%dma_wait3A_414 : memref<512x64xf32, #tpu.memory_space<hbm>>)
    %dma_start3A_415 = arith.constant 9728 : i32
    %dma_start3A_416 = tpu.memref_slice %arg6[%dma_start3A_415] : memref<12800xi32, #tpu.memory_space<vmem>> -> memref<512xi32, #tpu.memory_space<vmem>>
    %dma_start3A_417 = arith.constant 0 : i32
    %dma_start3A_418 = arith.constant 0 : i32
    %dma_start3A_419 = tpu.memref_slice %arg5[%dma_start3A_417, %dma_start3A_418] : memref<272x64xf32, #tpu.memory_space<vmem_shared>> -> memref<272x64xf32, #tpu.memory_space<vmem_shared>>
    tpu.enqueue_indirect_dma source(%dma_start3A_419 : memref<272x64xf32, #tpu.memory_space<vmem_shared>>) target(%arg8 : memref<512x64xf32, #tpu.memory_space<vmem>>) offsets(%dma_start3A_416 : memref<512xi32, #tpu.memory_space<vmem>>) semaphore(%arg11 : memref<!tpu.dma_semaphore, #tpu.memory_space<semaphore_mem>>)
    %add3A_420 = arith.constant 8704 : i32
    %add3A_421 = arith.addi %add3A_4, %add3A_420 : i32
    %dma_start3A_422 = arith.constant 0 : i32
    %dma_start3A_423 = tpu.memref_slice %arg4[%add3A_421, %dma_start3A_422] : memref<819200x64xf32, #tpu.memory_space<hbm>> -> memref<512x64xf32, #tpu.memory_space<hbm>>
    %dma_start3A_424 = arith.constant 0 : i32
    %dma_start3A_425 = tpu.memref_slice %arg4[%add3A_421, %dma_start3A_424] : memref<819200x64xf32, #tpu.memory_space<hbm>> -> memref<512x64xf32, #tpu.memory_space<hbm>>
    tpu.enqueue_dma source(%arg9 : memref<512x64xf32, #tpu.memory_space<vmem>>) target(%dma_start3A_425 : memref<512x64xf32, #tpu.memory_space<hbm>>) target_semaphore(%arg15 : memref<!tpu.dma_semaphore, #tpu.memory_space<semaphore_mem>>)
    %dma_wait3A_426 = arith.constant 9216 : i32
    %dma_wait3A_427 = tpu.memref_slice %arg6[%dma_wait3A_426] : memref<12800xi32, #tpu.memory_space<vmem>> -> memref<512xi32, #tpu.memory_space<vmem>>
    %dma_wait3A_428 = arith.constant 0 : i32
    %dma_wait3A_429 = arith.constant 0 : i32
    %dma_wait3A_430 = tpu.memref_slice %arg5[%dma_wait3A_428, %dma_wait3A_429] : memref<272x64xf32, #tpu.memory_space<vmem_shared>> -> memref<272x64xf32, #tpu.memory_space<vmem_shared>>
    tpu.wait_indirect_dma semaphore(%arg10 : memref<!tpu.dma_semaphore, #tpu.memory_space<semaphore_mem>>) src(%dma_wait3A_430 : memref<272x64xf32, #tpu.memory_space<vmem_shared>>) dst(%arg7 : memref<512x64xf32, #tpu.memory_space<vmem>>)
    %add3A_431 = arith.constant 8704 : i32
    %add3A_432 = arith.addi %add3A_4, %add3A_431 : i32
    %dma_wait3A_433 = arith.constant 0 : i32
    %dma_wait3A_434 = tpu.memref_slice %arg4[%add3A_432, %dma_wait3A_433] : memref<819200x64xf32, #tpu.memory_space<hbm>> -> memref<512x64xf32, #tpu.memory_space<hbm>>
    %dma_wait3A_435 = arith.constant 0 : i32
    %dma_wait3A_436 = tpu.memref_slice %arg4[%add3A_432, %dma_wait3A_435] : memref<819200x64xf32, #tpu.memory_space<hbm>> -> memref<512x64xf32, #tpu.memory_space<hbm>>
    tpu.wait_dma2 semaphore(%arg15 : memref<!tpu.dma_semaphore, #tpu.memory_space<semaphore_mem>>) src(%arg9 : memref<512x64xf32, #tpu.memory_space<vmem>>) dst(%dma_wait3A_436 : memref<512x64xf32, #tpu.memory_space<hbm>>)
    %dma_start3A_437 = arith.constant 10240 : i32
    %dma_start3A_438 = tpu.memref_slice %arg6[%dma_start3A_437] : memref<12800xi32, #tpu.memory_space<vmem>> -> memref<512xi32, #tpu.memory_space<vmem>>
    %dma_start3A_439 = arith.constant 0 : i32
    %dma_start3A_440 = arith.constant 0 : i32
    %dma_start3A_441 = tpu.memref_slice %arg5[%dma_start3A_439, %dma_start3A_440] : memref<272x64xf32, #tpu.memory_space<vmem_shared>> -> memref<272x64xf32, #tpu.memory_space<vmem_shared>>
    tpu.enqueue_indirect_dma source(%dma_start3A_441 : memref<272x64xf32, #tpu.memory_space<vmem_shared>>) target(%arg9 : memref<512x64xf32, #tpu.memory_space<vmem>>) offsets(%dma_start3A_438 : memref<512xi32, #tpu.memory_space<vmem>>) semaphore(%arg12 : memref<!tpu.dma_semaphore, #tpu.memory_space<semaphore_mem>>)
    %add3A_442 = arith.constant 9216 : i32
    %add3A_443 = arith.addi %add3A_4, %add3A_442 : i32
    %dma_start3A_444 = arith.constant 0 : i32
    %dma_start3A_445 = tpu.memref_slice %arg4[%add3A_443, %dma_start3A_444] : memref<819200x64xf32, #tpu.memory_space<hbm>> -> memref<512x64xf32, #tpu.memory_space<hbm>>
    %dma_start3A_446 = arith.constant 0 : i32
    %dma_start3A_447 = tpu.memref_slice %arg4[%add3A_443, %dma_start3A_446] : memref<819200x64xf32, #tpu.memory_space<hbm>> -> memref<512x64xf32, #tpu.memory_space<hbm>>
    tpu.enqueue_dma source(%arg7 : memref<512x64xf32, #tpu.memory_space<vmem>>) target(%dma_start3A_447 : memref<512x64xf32, #tpu.memory_space<hbm>>) target_semaphore(%arg13 : memref<!tpu.dma_semaphore, #tpu.memory_space<semaphore_mem>>)
    %dma_wait3A_448 = arith.constant 9728 : i32
    %dma_wait3A_449 = tpu.memref_slice %arg6[%dma_wait3A_448] : memref<12800xi32, #tpu.memory_space<vmem>> -> memref<512xi32, #tpu.memory_space<vmem>>
    %dma_wait3A_450 = arith.constant 0 : i32
    %dma_wait3A_451 = arith.constant 0 : i32
    %dma_wait3A_452 = tpu.memref_slice %arg5[%dma_wait3A_450, %dma_wait3A_451] : memref<272x64xf32, #tpu.memory_space<vmem_shared>> -> memref<272x64xf32, #tpu.memory_space<vmem_shared>>
    tpu.wait_indirect_dma semaphore(%arg11 : memref<!tpu.dma_semaphore, #tpu.memory_space<semaphore_mem>>) src(%dma_wait3A_452 : memref<272x64xf32, #tpu.memory_space<vmem_shared>>) dst(%arg8 : memref<512x64xf32, #tpu.memory_space<vmem>>)
    %add3A_453 = arith.constant 9216 : i32
    %add3A_454 = arith.addi %add3A_4, %add3A_453 : i32
    %dma_wait3A_455 = arith.constant 0 : i32
    %dma_wait3A_456 = tpu.memref_slice %arg4[%add3A_454, %dma_wait3A_455] : memref<819200x64xf32, #tpu.memory_space<hbm>> -> memref<512x64xf32, #tpu.memory_space<hbm>>
    %dma_wait3A_457 = arith.constant 0 : i32
    %dma_wait3A_458 = tpu.memref_slice %arg4[%add3A_454, %dma_wait3A_457] : memref<819200x64xf32, #tpu.memory_space<hbm>> -> memref<512x64xf32, #tpu.memory_space<hbm>>
    tpu.wait_dma2 semaphore(%arg13 : memref<!tpu.dma_semaphore, #tpu.memory_space<semaphore_mem>>) src(%arg7 : memref<512x64xf32, #tpu.memory_space<vmem>>) dst(%dma_wait3A_458 : memref<512x64xf32, #tpu.memory_space<hbm>>)
    %dma_start3A_459 = arith.constant 10752 : i32
    %dma_start3A_460 = tpu.memref_slice %arg6[%dma_start3A_459] : memref<12800xi32, #tpu.memory_space<vmem>> -> memref<512xi32, #tpu.memory_space<vmem>>
    %dma_start3A_461 = arith.constant 0 : i32
    %dma_start3A_462 = arith.constant 0 : i32
    %dma_start3A_463 = tpu.memref_slice %arg5[%dma_start3A_461, %dma_start3A_462] : memref<272x64xf32, #tpu.memory_space<vmem_shared>> -> memref<272x64xf32, #tpu.memory_space<vmem_shared>>
    tpu.enqueue_indirect_dma source(%dma_start3A_463 : memref<272x64xf32, #tpu.memory_space<vmem_shared>>) target(%arg7 : memref<512x64xf32, #tpu.memory_space<vmem>>) offsets(%dma_start3A_460 : memref<512xi32, #tpu.memory_space<vmem>>) semaphore(%arg10 : memref<!tpu.dma_semaphore, #tpu.memory_space<semaphore_mem>>)
    %add3A_464 = arith.constant 9728 : i32
    %add3A_465 = arith.addi %add3A_4, %add3A_464 : i32
    %dma_start3A_466 = arith.constant 0 : i32
    %dma_start3A_467 = tpu.memref_slice %arg4[%add3A_465, %dma_start3A_466] : memref<819200x64xf32, #tpu.memory_space<hbm>> -> memref<512x64xf32, #tpu.memory_space<hbm>>
    %dma_start3A_468 = arith.constant 0 : i32
    %dma_start3A_469 = tpu.memref_slice %arg4[%add3A_465, %dma_start3A_468] : memref<819200x64xf32, #tpu.memory_space<hbm>> -> memref<512x64xf32, #tpu.memory_space<hbm>>
    tpu.enqueue_dma source(%arg8 : memref<512x64xf32, #tpu.memory_space<vmem>>) target(%dma_start3A_469 : memref<512x64xf32, #tpu.memory_space<hbm>>) target_semaphore(%arg14 : memref<!tpu.dma_semaphore, #tpu.memory_space<semaphore_mem>>)
    %dma_wait3A_470 = arith.constant 10240 : i32
    %dma_wait3A_471 = tpu.memref_slice %arg6[%dma_wait3A_470] : memref<12800xi32, #tpu.memory_space<vmem>> -> memref<512xi32, #tpu.memory_space<vmem>>
    %dma_wait3A_472 = arith.constant 0 : i32
    %dma_wait3A_473 = arith.constant 0 : i32
    %dma_wait3A_474 = tpu.memref_slice %arg5[%dma_wait3A_472, %dma_wait3A_473] : memref<272x64xf32, #tpu.memory_space<vmem_shared>> -> memref<272x64xf32, #tpu.memory_space<vmem_shared>>
    tpu.wait_indirect_dma semaphore(%arg12 : memref<!tpu.dma_semaphore, #tpu.memory_space<semaphore_mem>>) src(%dma_wait3A_474 : memref<272x64xf32, #tpu.memory_space<vmem_shared>>) dst(%arg9 : memref<512x64xf32, #tpu.memory_space<vmem>>)
    %add3A_475 = arith.constant 9728 : i32
    %add3A_476 = arith.addi %add3A_4, %add3A_475 : i32
    %dma_wait3A_477 = arith.constant 0 : i32
    %dma_wait3A_478 = tpu.memref_slice %arg4[%add3A_476, %dma_wait3A_477] : memref<819200x64xf32, #tpu.memory_space<hbm>> -> memref<512x64xf32, #tpu.memory_space<hbm>>
    %dma_wait3A_479 = arith.constant 0 : i32
    %dma_wait3A_480 = tpu.memref_slice %arg4[%add3A_476, %dma_wait3A_479] : memref<819200x64xf32, #tpu.memory_space<hbm>> -> memref<512x64xf32, #tpu.memory_space<hbm>>
    tpu.wait_dma2 semaphore(%arg14 : memref<!tpu.dma_semaphore, #tpu.memory_space<semaphore_mem>>) src(%arg8 : memref<512x64xf32, #tpu.memory_space<vmem>>) dst(%dma_wait3A_480 : memref<512x64xf32, #tpu.memory_space<hbm>>)
    %dma_start3A_481 = arith.constant 11264 : i32
    %dma_start3A_482 = tpu.memref_slice %arg6[%dma_start3A_481] : memref<12800xi32, #tpu.memory_space<vmem>> -> memref<512xi32, #tpu.memory_space<vmem>>
    %dma_start3A_483 = arith.constant 0 : i32
    %dma_start3A_484 = arith.constant 0 : i32
    %dma_start3A_485 = tpu.memref_slice %arg5[%dma_start3A_483, %dma_start3A_484] : memref<272x64xf32, #tpu.memory_space<vmem_shared>> -> memref<272x64xf32, #tpu.memory_space<vmem_shared>>
    tpu.enqueue_indirect_dma source(%dma_start3A_485 : memref<272x64xf32, #tpu.memory_space<vmem_shared>>) target(%arg8 : memref<512x64xf32, #tpu.memory_space<vmem>>) offsets(%dma_start3A_482 : memref<512xi32, #tpu.memory_space<vmem>>) semaphore(%arg11 : memref<!tpu.dma_semaphore, #tpu.memory_space<semaphore_mem>>)
    %add3A_486 = arith.constant 10240 : i32
    %add3A_487 = arith.addi %add3A_4, %add3A_486 : i32
    %dma_start3A_488 = arith.constant 0 : i32
    %dma_start3A_489 = tpu.memref_slice %arg4[%add3A_487, %dma_start3A_488] : memref<819200x64xf32, #tpu.memory_space<hbm>> -> memref<512x64xf32, #tpu.memory_space<hbm>>
    %dma_start3A_490 = arith.constant 0 : i32
    %dma_start3A_491 = tpu.memref_slice %arg4[%add3A_487, %dma_start3A_490] : memref<819200x64xf32, #tpu.memory_space<hbm>> -> memref<512x64xf32, #tpu.memory_space<hbm>>
    tpu.enqueue_dma source(%arg9 : memref<512x64xf32, #tpu.memory_space<vmem>>) target(%dma_start3A_491 : memref<512x64xf32, #tpu.memory_space<hbm>>) target_semaphore(%arg15 : memref<!tpu.dma_semaphore, #tpu.memory_space<semaphore_mem>>)
    %dma_wait3A_492 = arith.constant 10752 : i32
    %dma_wait3A_493 = tpu.memref_slice %arg6[%dma_wait3A_492] : memref<12800xi32, #tpu.memory_space<vmem>> -> memref<512xi32, #tpu.memory_space<vmem>>
    %dma_wait3A_494 = arith.constant 0 : i32
    %dma_wait3A_495 = arith.constant 0 : i32
    %dma_wait3A_496 = tpu.memref_slice %arg5[%dma_wait3A_494, %dma_wait3A_495] : memref<272x64xf32, #tpu.memory_space<vmem_shared>> -> memref<272x64xf32, #tpu.memory_space<vmem_shared>>
    tpu.wait_indirect_dma semaphore(%arg10 : memref<!tpu.dma_semaphore, #tpu.memory_space<semaphore_mem>>) src(%dma_wait3A_496 : memref<272x64xf32, #tpu.memory_space<vmem_shared>>) dst(%arg7 : memref<512x64xf32, #tpu.memory_space<vmem>>)
    %add3A_497 = arith.constant 10240 : i32
    %add3A_498 = arith.addi %add3A_4, %add3A_497 : i32
    %dma_wait3A_499 = arith.constant 0 : i32
    %dma_wait3A_500 = tpu.memref_slice %arg4[%add3A_498, %dma_wait3A_499] : memref<819200x64xf32, #tpu.memory_space<hbm>> -> memref<512x64xf32, #tpu.memory_space<hbm>>
    %dma_wait3A_501 = arith.constant 0 : i32
    %dma_wait3A_502 = tpu.memref_slice %arg4[%add3A_498, %dma_wait3A_501] : memref<819200x64xf32, #tpu.memory_space<hbm>> -> memref<512x64xf32, #tpu.memory_space<hbm>>
    tpu.wait_dma2 semaphore(%arg15 : memref<!tpu.dma_semaphore, #tpu.memory_space<semaphore_mem>>) src(%arg9 : memref<512x64xf32, #tpu.memory_space<vmem>>) dst(%dma_wait3A_502 : memref<512x64xf32, #tpu.memory_space<hbm>>)
    %dma_start3A_503 = arith.constant 11776 : i32
    %dma_start3A_504 = tpu.memref_slice %arg6[%dma_start3A_503] : memref<12800xi32, #tpu.memory_space<vmem>> -> memref<512xi32, #tpu.memory_space<vmem>>
    %dma_start3A_505 = arith.constant 0 : i32
    %dma_start3A_506 = arith.constant 0 : i32
    %dma_start3A_507 = tpu.memref_slice %arg5[%dma_start3A_505, %dma_start3A_506] : memref<272x64xf32, #tpu.memory_space<vmem_shared>> -> memref<272x64xf32, #tpu.memory_space<vmem_shared>>
    tpu.enqueue_indirect_dma source(%dma_start3A_507 : memref<272x64xf32, #tpu.memory_space<vmem_shared>>) target(%arg9 : memref<512x64xf32, #tpu.memory_space<vmem>>) offsets(%dma_start3A_504 : memref<512xi32, #tpu.memory_space<vmem>>) semaphore(%arg12 : memref<!tpu.dma_semaphore, #tpu.memory_space<semaphore_mem>>)
    %add3A_508 = arith.constant 10752 : i32
    %add3A_509 = arith.addi %add3A_4, %add3A_508 : i32
    %dma_start3A_510 = arith.constant 0 : i32
    %dma_start3A_511 = tpu.memref_slice %arg4[%add3A_509, %dma_start3A_510] : memref<819200x64xf32, #tpu.memory_space<hbm>> -> memref<512x64xf32, #tpu.memory_space<hbm>>
    %dma_start3A_512 = arith.constant 0 : i32
    %dma_start3A_513 = tpu.memref_slice %arg4[%add3A_509, %dma_start3A_512] : memref<819200x64xf32, #tpu.memory_space<hbm>> -> memref<512x64xf32, #tpu.memory_space<hbm>>
    tpu.enqueue_dma source(%arg7 : memref<512x64xf32, #tpu.memory_space<vmem>>) target(%dma_start3A_513 : memref<512x64xf32, #tpu.memory_space<hbm>>) target_semaphore(%arg13 : memref<!tpu.dma_semaphore, #tpu.memory_space<semaphore_mem>>)
    %dma_wait3A_514 = arith.constant 11264 : i32
    %dma_wait3A_515 = tpu.memref_slice %arg6[%dma_wait3A_514] : memref<12800xi32, #tpu.memory_space<vmem>> -> memref<512xi32, #tpu.memory_space<vmem>>
    %dma_wait3A_516 = arith.constant 0 : i32
    %dma_wait3A_517 = arith.constant 0 : i32
    %dma_wait3A_518 = tpu.memref_slice %arg5[%dma_wait3A_516, %dma_wait3A_517] : memref<272x64xf32, #tpu.memory_space<vmem_shared>> -> memref<272x64xf32, #tpu.memory_space<vmem_shared>>
    tpu.wait_indirect_dma semaphore(%arg11 : memref<!tpu.dma_semaphore, #tpu.memory_space<semaphore_mem>>) src(%dma_wait3A_518 : memref<272x64xf32, #tpu.memory_space<vmem_shared>>) dst(%arg8 : memref<512x64xf32, #tpu.memory_space<vmem>>)
    %add3A_519 = arith.constant 10752 : i32
    %add3A_520 = arith.addi %add3A_4, %add3A_519 : i32
    %dma_wait3A_521 = arith.constant 0 : i32
    %dma_wait3A_522 = tpu.memref_slice %arg4[%add3A_520, %dma_wait3A_521] : memref<819200x64xf32, #tpu.memory_space<hbm>> -> memref<512x64xf32, #tpu.memory_space<hbm>>
    %dma_wait3A_523 = arith.constant 0 : i32
    %dma_wait3A_524 = tpu.memref_slice %arg4[%add3A_520, %dma_wait3A_523] : memref<819200x64xf32, #tpu.memory_space<hbm>> -> memref<512x64xf32, #tpu.memory_space<hbm>>
    tpu.wait_dma2 semaphore(%arg13 : memref<!tpu.dma_semaphore, #tpu.memory_space<semaphore_mem>>) src(%arg7 : memref<512x64xf32, #tpu.memory_space<vmem>>) dst(%dma_wait3A_524 : memref<512x64xf32, #tpu.memory_space<hbm>>)
    %dma_start3A_525 = arith.constant 12288 : i32
    %dma_start3A_526 = tpu.memref_slice %arg6[%dma_start3A_525] : memref<12800xi32, #tpu.memory_space<vmem>> -> memref<512xi32, #tpu.memory_space<vmem>>
    %dma_start3A_527 = arith.constant 0 : i32
    %dma_start3A_528 = arith.constant 0 : i32
    %dma_start3A_529 = tpu.memref_slice %arg5[%dma_start3A_527, %dma_start3A_528] : memref<272x64xf32, #tpu.memory_space<vmem_shared>> -> memref<272x64xf32, #tpu.memory_space<vmem_shared>>
    tpu.enqueue_indirect_dma source(%dma_start3A_529 : memref<272x64xf32, #tpu.memory_space<vmem_shared>>) target(%arg7 : memref<512x64xf32, #tpu.memory_space<vmem>>) offsets(%dma_start3A_526 : memref<512xi32, #tpu.memory_space<vmem>>) semaphore(%arg10 : memref<!tpu.dma_semaphore, #tpu.memory_space<semaphore_mem>>)
    %add3A_530 = arith.constant 11264 : i32
    %add3A_531 = arith.addi %add3A_4, %add3A_530 : i32
    %dma_start3A_532 = arith.constant 0 : i32
    %dma_start3A_533 = tpu.memref_slice %arg4[%add3A_531, %dma_start3A_532] : memref<819200x64xf32, #tpu.memory_space<hbm>> -> memref<512x64xf32, #tpu.memory_space<hbm>>
    %dma_start3A_534 = arith.constant 0 : i32
    %dma_start3A_535 = tpu.memref_slice %arg4[%add3A_531, %dma_start3A_534] : memref<819200x64xf32, #tpu.memory_space<hbm>> -> memref<512x64xf32, #tpu.memory_space<hbm>>
    tpu.enqueue_dma source(%arg8 : memref<512x64xf32, #tpu.memory_space<vmem>>) target(%dma_start3A_535 : memref<512x64xf32, #tpu.memory_space<hbm>>) target_semaphore(%arg14 : memref<!tpu.dma_semaphore, #tpu.memory_space<semaphore_mem>>)
    %dma_wait3A_536 = arith.constant 11776 : i32
    %dma_wait3A_537 = tpu.memref_slice %arg6[%dma_wait3A_536] : memref<12800xi32, #tpu.memory_space<vmem>> -> memref<512xi32, #tpu.memory_space<vmem>>
    %dma_wait3A_538 = arith.constant 0 : i32
    %dma_wait3A_539 = arith.constant 0 : i32
    %dma_wait3A_540 = tpu.memref_slice %arg5[%dma_wait3A_538, %dma_wait3A_539] : memref<272x64xf32, #tpu.memory_space<vmem_shared>> -> memref<272x64xf32, #tpu.memory_space<vmem_shared>>
    tpu.wait_indirect_dma semaphore(%arg12 : memref<!tpu.dma_semaphore, #tpu.memory_space<semaphore_mem>>) src(%dma_wait3A_540 : memref<272x64xf32, #tpu.memory_space<vmem_shared>>) dst(%arg9 : memref<512x64xf32, #tpu.memory_space<vmem>>)
    %add3A_541 = arith.constant 11264 : i32
    %add3A_542 = arith.addi %add3A_4, %add3A_541 : i32
    %dma_wait3A_543 = arith.constant 0 : i32
    %dma_wait3A_544 = tpu.memref_slice %arg4[%add3A_542, %dma_wait3A_543] : memref<819200x64xf32, #tpu.memory_space<hbm>> -> memref<512x64xf32, #tpu.memory_space<hbm>>
    %dma_wait3A_545 = arith.constant 0 : i32
    %dma_wait3A_546 = tpu.memref_slice %arg4[%add3A_542, %dma_wait3A_545] : memref<819200x64xf32, #tpu.memory_space<hbm>> -> memref<512x64xf32, #tpu.memory_space<hbm>>
    tpu.wait_dma2 semaphore(%arg14 : memref<!tpu.dma_semaphore, #tpu.memory_space<semaphore_mem>>) src(%arg8 : memref<512x64xf32, #tpu.memory_space<vmem>>) dst(%dma_wait3A_546 : memref<512x64xf32, #tpu.memory_space<hbm>>)
    %add3A_547 = arith.constant 11776 : i32
    %add3A_548 = arith.addi %add3A_4, %add3A_547 : i32
    %dma_start3A_549 = arith.constant 0 : i32
    %dma_start3A_550 = tpu.memref_slice %arg4[%add3A_548, %dma_start3A_549] : memref<819200x64xf32, #tpu.memory_space<hbm>> -> memref<512x64xf32, #tpu.memory_space<hbm>>
    %dma_start3A_551 = arith.constant 0 : i32
    %dma_start3A_552 = tpu.memref_slice %arg4[%add3A_548, %dma_start3A_551] : memref<819200x64xf32, #tpu.memory_space<hbm>> -> memref<512x64xf32, #tpu.memory_space<hbm>>
    tpu.enqueue_dma source(%arg9 : memref<512x64xf32, #tpu.memory_space<vmem>>) target(%dma_start3A_552 : memref<512x64xf32, #tpu.memory_space<hbm>>) target_semaphore(%arg15 : memref<!tpu.dma_semaphore, #tpu.memory_space<semaphore_mem>>)
    %dma_wait3A_553 = arith.constant 12288 : i32
    %dma_wait3A_554 = tpu.memref_slice %arg6[%dma_wait3A_553] : memref<12800xi32, #tpu.memory_space<vmem>> -> memref<512xi32, #tpu.memory_space<vmem>>
    %dma_wait3A_555 = arith.constant 0 : i32
    %dma_wait3A_556 = arith.constant 0 : i32
    %dma_wait3A_557 = tpu.memref_slice %arg5[%dma_wait3A_555, %dma_wait3A_556] : memref<272x64xf32, #tpu.memory_space<vmem_shared>> -> memref<272x64xf32, #tpu.memory_space<vmem_shared>>
    tpu.wait_indirect_dma semaphore(%arg10 : memref<!tpu.dma_semaphore, #tpu.memory_space<semaphore_mem>>) src(%dma_wait3A_557 : memref<272x64xf32, #tpu.memory_space<vmem_shared>>) dst(%arg7 : memref<512x64xf32, #tpu.memory_space<vmem>>)
    %add3A_558 = arith.constant 11776 : i32
    %add3A_559 = arith.addi %add3A_4, %add3A_558 : i32
    %dma_wait3A_560 = arith.constant 0 : i32
    %dma_wait3A_561 = tpu.memref_slice %arg4[%add3A_559, %dma_wait3A_560] : memref<819200x64xf32, #tpu.memory_space<hbm>> -> memref<512x64xf32, #tpu.memory_space<hbm>>
    %dma_wait3A_562 = arith.constant 0 : i32
    %dma_wait3A_563 = tpu.memref_slice %arg4[%add3A_559, %dma_wait3A_562] : memref<819200x64xf32, #tpu.memory_space<hbm>> -> memref<512x64xf32, #tpu.memory_space<hbm>>
    tpu.wait_dma2 semaphore(%arg15 : memref<!tpu.dma_semaphore, #tpu.memory_space<semaphore_mem>>) src(%arg9 : memref<512x64xf32, #tpu.memory_space<vmem>>) dst(%dma_wait3A_563 : memref<512x64xf32, #tpu.memory_space<hbm>>)
    %add3A_564 = arith.constant 12288 : i32
    %add3A_565 = arith.addi %add3A_4, %add3A_564 : i32
    %dma_start3A_566 = arith.constant 0 : i32
    %dma_start3A_567 = tpu.memref_slice %arg4[%add3A_565, %dma_start3A_566] : memref<819200x64xf32, #tpu.memory_space<hbm>> -> memref<512x64xf32, #tpu.memory_space<hbm>>
    %dma_start3A_568 = arith.constant 0 : i32
    %dma_start3A_569 = tpu.memref_slice %arg4[%add3A_565, %dma_start3A_568] : memref<819200x64xf32, #tpu.memory_space<hbm>> -> memref<512x64xf32, #tpu.memory_space<hbm>>
    tpu.enqueue_dma source(%arg7 : memref<512x64xf32, #tpu.memory_space<vmem>>) target(%dma_start3A_569 : memref<512x64xf32, #tpu.memory_space<hbm>>) target_semaphore(%arg13 : memref<!tpu.dma_semaphore, #tpu.memory_space<semaphore_mem>>)
    %add3A_570 = arith.constant 12288 : i32
    %add3A_571 = arith.addi %add3A_4, %add3A_570 : i32
    %dma_wait3A_572 = arith.constant 0 : i32
    %dma_wait3A_573 = tpu.memref_slice %arg4[%add3A_571, %dma_wait3A_572] : memref<819200x64xf32, #tpu.memory_space<hbm>> -> memref<512x64xf32, #tpu.memory_space<hbm>>
    %dma_wait3A_574 = arith.constant 0 : i32
    %dma_wait3A_575 = tpu.memref_slice %arg4[%add3A_571, %dma_wait3A_574] : memref<819200x64xf32, #tpu.memory_space<hbm>> -> memref<512x64xf32, #tpu.memory_space<hbm>>
    tpu.wait_dma2 semaphore(%arg13 : memref<!tpu.dma_semaphore, #tpu.memory_space<semaphore_mem>>) src(%arg7 : memref<512x64xf32, #tpu.memory_space<vmem>>) dst(%dma_wait3A_575 : memref<512x64xf32, #tpu.memory_space<hbm>>)
    return
  }
}

module attributes {stable_mosaic.version = 14 : i64} {
  func.func @tc_body(%arg0: i32, %arg1: memref<16x128xi32, #tpu.memory_space<vmem>>, %arg2: memref<18x64xf32, #tpu.memory_space<vmem>>, %arg3: memref<819200x64xf32, #tpu.memory_space<any>>, %arg4: memref<2048x64xf32, #tpu.memory_space<vmem>>) attributes {dimension_semantics = [#tpu.dimension_semantics<arbitrary>], iteration_bounds = array<i64: 200>, scalar_prefetch = 0 : i64, scratch_operands = 0 : i64, tpu.core_type = #tpu.core_type<tc>, window_params = [{transform_indices = @transform_0, window_bounds = array<i64: 16, 128>}, {pipeline_mode = #tpu.pipeline_mode<synchronous>, transform_indices = @transform_1, window_bounds = array<i64: 18, 64>}, {}, {transform_indices = @transform_3, window_bounds = array<i64: 2048, 64>}]} {
    %get3A = arith.constant 0 : index
    %get3A_0 = arith.constant 0 : index
    %get3A_1 = vector.load %arg1[%get3A, %get3A_0] : memref<16x128xi32, #tpu.memory_space<vmem>>, vector<16x128xi32>
    %broadcast_in_dim3A = vector.shape_cast %get3A_1 : vector<16x128xi32> to vector<16x128x1xi32>
    %add3A = arith.constant 1 : i32
    %add3A_2 = vector.broadcast %add3A : i32 to vector<16x128x1xi32>
    %add3A_3 = arith.addi %broadcast_in_dim3A, %add3A_2 : vector<16x128x1xi32>
    %iota3A = tpu.iota {dimensions = array<i32: 2>} : vector<16x128x18xi32>
    %eq3A = vector.broadcast %add3A_3 : vector<16x128x1xi32> to vector<16x128x18xi32>
    %eq3A_4 = arith.cmpi eq, %eq3A, %iota3A : vector<16x128x18xi32>
    %convert_element_type3A = arith.extui %eq3A_4 : vector<16x128x18xi1> to vector<16x128x18xi32>
    %convert_element_type3A_5 = arith.sitofp %convert_element_type3A : vector<16x128x18xi32> to vector<16x128x18xf32>
    %reshape3A = vector.shape_cast %convert_element_type3A_5 : vector<16x128x18xf32> to vector<2048x18xf32>
    %get3A_6 = arith.constant 0 : index
    %get3A_7 = arith.constant 0 : index
    %get3A_8 = vector.load %arg2[%get3A_6, %get3A_7] : memref<18x64xf32, #tpu.memory_space<vmem>>, vector<18x64xf32>
    %dot_general3A = arith.constant dense<0.000000e+00> : vector<2048x64xf32>
    %dot_general3A_9 = tpu.matmul %reshape3A, %get3A_8, %dot_general3A {dimension_numbers = #tpu.dot_dimension_numbers<[1], [0], [0], [1], [0, 0, 1, 1], [], []>, precision = #tpu.contract_precision<fp32>, transpose_lhs_hint = false} : vector<2048x18xf32>, vector<18x64xf32>, vector<2048x64xf32> -> vector<2048x64xf32>
    %swap3A = arith.constant 0 : index
    %swap3A_10 = arith.constant 0 : index
    %swap3A_11 = vector.load %arg4[%swap3A, %swap3A_10] : memref<2048x64xf32, #tpu.memory_space<vmem>>, vector<2048x64xf32>
    tpu.vector_store %arg4[%swap3A, %swap3A_10], %dot_general3A_9 {strides = array<i32>} : memref<2048x64xf32, #tpu.memory_space<vmem>>, vector<2048x64xf32>,
    return
  }
  func.func @transform_0(%arg0: i32) -> (i32, i32) {
    %c0_i32 = arith.constant 0 : i32
    %c0_i32_0 = arith.constant 0 : i32
    return %arg0, %c0_i32 : i32, i32
  }
  func.func @transform_1(%arg0: i32) -> (i32, i32) {
    %c0_i32 = arith.constant 0 : i32
    %c0_i32_0 = arith.constant 0 : i32
    %c0_i32_1 = arith.constant 0 : i32
    return %c0_i32, %c0_i32_0 : i32, i32
  }
  func.func @transform_3(%arg0: i32) -> (i32, i32) {
    %c0_i32 = arith.constant 0 : i32
    %c0_i32_0 = arith.constant 0 : i32
    return %arg0, %c0_i32 : i32, i32
  }
}

</mosaic_0001>

<sc_bundles>
// kernel: _lookup.4.cloned.1.call-start
scs
__scs_entry_jumppad:
0x0: {  	(pc) =	sbr.rel $0x88, $3  }
0x1: {  	(tag) =	ssettag $0x0;
	lr =	simm.s32 $0x1  }
0x2: {  	[smem:$0x3F9F] =	sst lr;
	_ =	strace $0xD0000000  }
0x3: {  	_ = 	snop  }
0x4: {  	_ = 	snop  }
0x5: {  	_ = 	snop  }
0x6: {  	_ = 	snop  }
0x7: {  	_ = 	snop  }
__scs_overlays_trampoline_lowered:
0x8: {  	[smem:$0x3FAE] =	sst s0  }
0x9: {  	[smem:$0x3FAF] =	sst s1  }
0xa: {  	[smem:$0x3FB0] =	sst s2  }
0xb: {  	[smem:$0x3FB1] =	sst s3  }
0xc: {  	[smem:$0x3FB2] =	sst s4  }
0xd: {  	[smem:$0x3FB3] =	sst s5  }
0xe: {  	[smem:$0x3FB4] =	sst s6  }
0xf: {  	[smem:$0x3FB5] =	sst s7  }
0x10: {  	[smem:$0x3FB6] =	sst s8  }
0x11: {  	[smem:$0x3FB7] =	sst s9;
	s0 =	simm.s32 @!p0 $0x0  }
0x12: {  	s1 =	sld [smem:$0x3F9D];
	s0 =	simm.s32 @p0 $0x1  }
0x13: {  	[smem:$0x3FB8] =	sst s0;
	s0 =	simm.s32 @!p1 $0x0  }
0x14: {  	s2 =	sld [smem:$0x3F9C];
	s0 =	simm.s32 @p1 $0x1  }
0x15: {  	[smem:$0x3FB9] =	sst s0;
	s0 =	simm.s32 @!p2 $0x0  }
0x16: {  	s3 =	sld [smem:$0x3FDB];
	s0 =	simm.s32 @p2 $0x1  }
0x17: {  	s4 =	simm.s32 $0x1BF5;
	[smem:$0x3FBB] =	sst s0  }
0x18: {  	s0 =	sld [smem:$0x3F9E];
	_ =	swait.ge [sflag:s4], $0x0  }
0x19: {  	s7 =	sld [smem:$0x3F9F]  }
0x1a: {  	s8 =	sadd.s32 $0xFFFFE003, lr  }
0x1b: {  	s9 =	sadd.s32 $0xFFFFFEF7, lr;
	s5 =	simm.s32 $0xFFFFFFFF;
	p2 =	slt.u32 s8, $0xFFFFF086  }
0x1c: {  	p1 =	slt.u32 s9, $0xF7A;
	s5 =	simm.s32 @!p2 $0x0  }
0x1d: {  	s5 =	simm.s32 @p1 $0x1;
	p0 =	seq.s32 s7, s2  }
0x1e: {  	s7 =	smul.u32 @!p0 $0xF7A, s2;
	p2 =	seq.s32 @!p0 s5, $0x0  }
0x1f: {  	s9 =	smul.u32 $0xF7A, s1;
	s8 =	simm.s32 @!p0 $0x1BF5;
	p2 =	por !p2, p0  }
0x20: {  	[sflag:s8] =	ssyncset.s32 @!p0 $0xFFFFF086;
	s6 =	sadd.s32 @!p0 s3, s7;
	s7 =	simm.s32 @!p0 $0x108  }
0x21: {  	s3 =	sadd.s32 s3, s9;
	s6 =	sadd.s32 @!p0 $0x88, s6;
	s7 =	simm.s32 @p2 $0x1082  }
0x22: {  	[simem:s7], [sflag:s8] =	dma.local @!p0 [hbm:s6], $0xF7A  }
0x23: {  	s9 =	sor.u32 $0xD0000000, s2;
	s6 =	simm.s32 $0x108;
	_ =	swait.ge @!p0 [sflag:s8], $0x0  }
0x24: {  	s3 =	sadd.s32 $0x88, s3;
	s6 =	simm.s32 @!p1 $0x1082;
	[sflag:s4] =	ssyncset.s32 $0xFFFFF086  }
0x25: {  	[simem:s6], [sflag:s4] =	dma.local [hbm:s3], $0xF7A  }
0x26: {  	[smem:$0x3F9F] =	sst s1;
	(tag) =	ssettag s2;
	_ =	strace s9  }
0x27: {  	s1 =	sld [smem:$0x3FAF]  }
0x28: {  	s2 =	sld [smem:$0x3FB0]  }
0x29: {  	s4 =	sld [smem:$0x3FB2]  }
0x2a: {  	p0 =	seq.s32 s5, $0x0;
	s5 =	sld [smem:$0x3FB3]  }
0x2b: {  	s6 =	sld [smem:$0x3FB4]  }
0x2c: {  	s7 =	sld [smem:$0x3FB5]  }
0x2d: {  	s3 =	simm.s32 $0x108;
	s8 =	sld [smem:$0x3FB6]  }
0x2e: {  	s3 =	simm.s32 @!p0 $0x1082;
	s9 =	sld [smem:$0x3FB7]  }
0x2f: {  	lr =	sadd.s32 s0, s3;
	s0 =	sld [smem:$0x3FAE]  }
0x30: {  	s3 =	sld [smem:$0x3FB1]  }
0x31: {  	[smem:$0x3FBA] =	sst s10  }
0x32: {  	s10 =	sld [smem:$0x3FB8];
	_ =	sdelay $0x3  }
0x33: {  	p0 =	seq.s32 s10, $0x1;
	s10 =	sld [smem:$0x3FBA];
	_ =	sdelay $0x3  }
0x34: {  	[smem:$0x3FBA] =	sst s10  }
0x35: {  	s10 =	sld [smem:$0x3FB9];
	_ =	sdelay $0x3  }
0x36: {  	p1 =	seq.s32 s10, $0x1;
	s10 =	sld [smem:$0x3FBA];
	_ =	sdelay $0x3  }
0x37: {  	[smem:$0x3FBA] =	sst s10  }
0x38: {  	s10 =	sld [smem:$0x3FBB]  }
0x39: {  	_ = 	snop;
	(pc) =	sbr.ind lr, $3  }
0x3a: {  	_ = 	snop  }
0x3b: {  	_ = 	snop  }
0x3c: {  	p2 =	seq.s32 s10, $0x1;
	s10 =	sld [smem:$0x3FBA]  }
0x3d: {  	_ =	shalt  }
0x3e: {  	_ =	shalt  }
0x3f: {  	_ =	shalt  }
0x40: {  	_ =	shalt  }
0x41: {  	_ =	shalt  }
0x42: {  	_ =	shalt  }
0x43: {  	_ =	shalt  }
0x44: {  	_ =	shalt  }
0x45: {  	_ =	shalt  }
0x46: {  	_ =	shalt  }
0x47: {  	_ =	shalt  }
0x48: {  	_ =	shalt  }
0x49: {  	_ =	shalt  }
0x4a: {  	_ =	shalt  }
0x4b: {  	_ =	shalt  }
0x4c: {  	_ =	shalt  }
0x4d: {  	_ =	shalt  }
0x4e: {  	_ =	shalt  }
0x4f: {  	_ =	shalt  }
0x50: {  	_ =	shalt  }
0x51: {  	_ =	shalt  }
0x52: {  	_ =	shalt  }
0x53: {  	_ =	shalt  }
0x54: {  	_ =	shalt  }
0x55: {  	_ =	shalt  }
0x56: {  	_ =	shalt  }
0x57: {  	_ =	shalt  }
0x58: {  	_ =	shalt  }
0x59: {  	_ =	shalt  }
0x5a: {  	_ =	shalt  }
0x5b: {  	_ =	shalt  }
0x5c: {  	_ =	shalt  }
0x5d: {  	_ =	shalt  }
0x5e: {  	_ =	shalt  }
0x5f: {  	_ =	shalt  }
0x60: {  	_ =	shalt  }
0x61: {  	_ =	shalt  }
0x62: {  	_ =	shalt  }
0x63: {  	_ =	shalt  }
0x64: {  	_ =	shalt  }
0x65: {  	_ =	shalt  }
0x66: {  	_ =	shalt  }
0x67: {  	_ =	shalt  }
0x68: {  	_ =	shalt  }
0x69: {  	_ =	shalt  }
0x6a: {  	_ =	shalt  }
0x6b: {  	_ =	shalt  }
0x6c: {  	_ =	shalt  }
0x6d: {  	_ =	shalt  }
0x6e: {  	_ =	shalt  }
0x6f: {  	_ =	shalt  }
0x70: {  	_ =	shalt  }
0x71: {  	_ =	shalt  }
0x72: {  	_ =	shalt  }
0x73: {  	_ =	shalt  }
0x74: {  	_ =	shalt  }
0x75: {  	_ =	shalt  }
0x76: {  	_ =	shalt  }
0x77: {  	_ =	shalt  }
0x78: {  	_ =	shalt  }
0x79: {  	_ =	shalt  }
0x7a: {  	_ =	shalt  }
0x7b: {  	_ =	shalt  }
0x7c: {  	_ =	shalt  }
0x7d: {  	_ =	shalt  }
0x7e: {  	_ =	shalt  }
0x7f: {  	_ =	shalt  }
0x80: {  	_ =	shalt  }
0x81: {  	_ =	shalt  }
0x82: {  	_ =	shalt  }
0x83: {  	_ =	shalt  }
0x84: {  	_ =	shalt  }
0x85: {  	_ =	shalt  }
0x86: {  	_ =	shalt  }
0x87: {  	_ =	shalt  }
.Lfunc_end0:
.L_simem_size_0:
called_computation_lowered:
.L_overlay_start_0:
0x88: {  	s2 =	sld [smem:$0x3FD9]  }
0x89: {  	s3 =	sld [smem:$0x3FFE];
	_ =	sdelay $0x1  }
0x8a: {  	s1 =	srdreg.scid  }
0x8b: {  	s0 =	sand.u32 $0x1, s1  }
0x8c: {  	s17 =	sshll.u32 s0, $0xA;
	s2 =	sadd.s32 s3, s2  }
0x8d: {  	s2 =	sadd.s32 s2, s17  }
0x8e: {  	[smem:$0x3FC6] =	sst s2  }
0x8f: {  	_ = 	snop  }
0x90: {  	s2 =	sld [smem:$0x3FC9]  }
0x91: {  	s18 =	sld [smem:$0x3FD0];
	(tm) =	ssettm $0x1  }
0x92: {  	s4 =	sld [smem:$0x3FFB];
	_ =	sdelay $0x3  }
0x93: {  	_ =	strace s4  }
0x94: {  	s4 =	sld [smem:$0x3FFC];
	_ =	sdelay $0x3  }
0x95: {  	_ =	strace s4  }
0x96: {  	s4 =	sld [smem:$0x3FFD];
	_ =	sdelay $0x3  }
0x97: {  	_ =	strace s4  }
0x98: {  	_ =	strace $0x8FFFFFFF  }
0x99: {  	s19 =	sld [smem:$0x3FDB];
	_ =	sdelay $0x1  }
0x9a: {  	s5 =	simm.s32 $_scs_section_size  }
0x9b: {  	s6 =	simm.s32 $_size__tile_overlayer_lowered;
	s7 =	simm.s32 $_tile_overlayer_lowered  }
0x9c: {  	s22 =	simm.s32 $0x1BFF;
	s21 =	sshll.u32 s7, $0x1;
	s4 =	sadd.s32 s5, s19  }
0x9d: {  	s8 =	simm.s32 $0x0;
	s20 =	sshll.u32 s6, $0x1;
	s6 =	sadd.s32 s21, s4  }
0x9e: {  	[timem:s8], [sflag:s22] =	dma.local [hbm:s6], s20  }
0x9f: {  	_ =	swait.ge [sflag:s22], s20  }
0xa0: {  	s5 =	ssub.s32 $0x0, s20;
	[sflag:s22] =	ssyncset.done $0x0  }
0xa1: {  	[sflag:s22] =	ssyncadd.s32 s5;
	_ =	sdelay $0x1  }
0xa2: {  	s23 =	simm.s32 $0x1B8B  }
0xa3: {  	_ =	swait.ge [sflag:s23], $0x1  }
0xa4: {  	[sflag:s23] =	ssyncset.done $0x0  }
0xa5: {  	s25 =	simm.s32 $0x1B8E;
	s24 =	sld [smem:$0x3FFE];
	[sflag:s23] =	ssyncadd.s32 $0xFFFFFFFF  }
0xa6: {  	s26 =	simm.s32 $execute0_lowered;
	[smem:$0x3FD2] =	sst s25  }
0xa7: {  	s6 =	sshll.u32 s26, $0x1;
	_ =	strace $0x80000046;
	[dreg:$0x1] =	wrdreg $0xFFFFFFFF  }
0xa8: {  	s28 =	simm.s32 $_size_execute0_lowered;
	s4 =	sadd.s32 s4, s6;
	[dreg:$0x0] =	wrdreg $0x0  }
0xa9: {  	s6 =	sshll.u32 s28, $0x1;
	[dreg:$0x2] =	wrdreg s4  }
0xaa: {  	[dreg:$0x3] =	wrdreg s6  }
0xab: {  	[dreg:$0x4] =	wrdreg $0xC0  }
0xac: {  	_ =	task [dreg:s8], $0x5FFFF  }
0xad: {  	[dreg:$0x1] =	wrdreg $0xFFFFFFFF  }
0xae: {  	[dreg:$0x0] =	wrdreg $0x60  }
0xaf: {  	[dreg:$0x2] =	wrdreg s24  }
0xb0: {  	[dreg:$0x3] =	wrdreg s2  }
0xb1: {  	[dreg:$0x4] =	wrdreg s18  }
0xb2: {  	[dreg:$0x5] =	wrdreg $0x0  }
0xb3: {  	[dreg:$0x6] =	wrdreg $0x9  }
0xb4: {  	_ =	task.clear_ibuf [dreg:s8], $0x7FFFF;
	_ =	strace $0x90000046  }
0xb5: {  	s29 =	simm.s32 $0x9;
	_ =	strace $0x80000048  }
0xb6: {  	_ =	swait.ge [sflag:s29], $0x1  }
0xb7: {  	[sflag:s29] =	ssyncadd.s32 $0xFFFFFFFF  }
0xb8: {  	_ =	strace $0x90000048  }
0xb9: {  	_ =	sfence  }
0xba: {  	s30 =	sld [smem:$0x0];
	_ =	sdelay $0x2  }
0xbb: {  	s31 =	sshll.u32 s1, $0xD;
	s1 =	sshrl.u32 s1, $0x2  }
0xbc: {  	s3 =	sand.u32 $0x4000, s31;
	s1 =	sadd.s32 s1, s30  }
0xbd: {  	s0 =	sor.u32 s3, s0;
	s1 =	sshll.u32 s1, $0x11  }
0xbe: {  	s0 =	sor.u32 s1, s0  }
0xbf: {  	s0 =	sadd.s32 $0x8F2B, s0  }
0xc0: {  	[sflag:s0] =	ssyncadd.remote.s32 $0x1  }
0xc1: {  	_ =	sfence.sel $0xFFFF  }
0xc2: {  	[dreg:$0x0] =	wrdreg $0xFFFFFFFF;
	(pc) =	sbr.abs _section_cstart, $3  }
0xc3: {  	[dreg:$0x1] =	wrdreg $0xFFFFFFFF  }
0xc4: {  	_ =	task.clear_ibuf [dreg:s8], $0x2FFFF;
	_ =	strace $0x9FFFFFFF  }
0xc5: {  	(tm) =	ssettm $0x7FFFFFFF  }
tec
execute0_lowered:
.L_overlay_start_1:
0x0: {  	(tag) =	ssettag $0x1  }
0x1: {  	s0 =	rddreg [dreg:$0x0]  }
0x2: {  	s1 =	rddreg [dreg:$0x1]  }
0x3: {  	s4 =	rddreg [dreg:$0x2]  }
0x4: {  	s2 =	rddreg [dreg:$0x3];
	s3 =	simm.s32 $0x0;
	s5 =	srdreg.scid  }
0x5: {  	s10 =	stileid.u32;
	[smem:$0x7FF] =	sst s3  }
0x6: {  	s5 =	sand.u32 $0x1, s5;
	s6 =	sshll.u32 s10, $0x1;
	s24 =	smul.u32 $0x1100, s10  }
0x7: {  	s26 =	sshll.u32 s10, $0x6;
	s7 =	ssub.s32 $0x2, s5;
	s5 =	sor.u32 s5, s6  }
0x8: {  	s0 =	sadd.s32 $0xA08, s0;
	_ =	strace $0x80000047;
	s9 =	smul.u32 $0x3200, s5  }
0x9: {  	[dreg:$0x5] =	wrdreg s0;
	s11 =	sor.u32 $0x1C07, s26;
	s8 =	sshrl.u32 s7, $0x1  }
0xa: {  	s6 =	sshrl.u32 s24, $0x2;
	s5 =	smul.u32 $0xC8000, s5;
	s25 =	sadd.s32 $0x64000, s9  }
0xb: {  	[dreg:$0x6] =	wrdreg s11;
	s7 =	ssub.s32 s7, s8;
	s13 =	sshrl.u32 s25, $0x3  }
0xc: {  	s12 =	sshrl.u32 s5, $0x3;
	s8 =	sshll.u32 s25, $0x3;
	s1 =	sadd.s32 s1, s13  }
0xd: {  	s0 =	sadd.s32 s4, s12;
	s14 =	sadd.s32 s4, s8;
	[dreg:$0x7] =	wrdreg s1  }
0xe: {  	s11 =	simm.s32 $0x13640;
	s15 =	sadd.s32 $0x321000, s0;
	[dreg:$0x8] =	wrdreg s14  }
0xf: {  	s6 =	sadd.s32 s6, s2;
	s16 =	sadd.s32 $0x322000, s0;
	[dreg:$0x9] =	wrdreg s15  }
0x10: {  	s5 =	simm.s32 $0x7;
	s17 =	sadd.s32 $0x323000, s0;
	[dreg:$0xa] =	wrdreg s16  }
0x11: {  	s9 =	simm.s32 $0xB640;
	s18 =	sadd.s32 $0x324000, s0;
	[dreg:$0xb] =	wrdreg s17  }
0x12: {  	s12 =	simm.s32 $0x2;
	s19 =	sadd.s32 $0x325000, s0;
	[dreg:$0xc] =	wrdreg s18  }
0x13: {  	s20 =	sadd.s32 $0x326000, s0;
	s21 =	sadd.s32 $0x327000, s0;
	[dreg:$0xd] =	wrdreg s19  }
0x14: {  	s22 =	sadd.s32 $0x328000, s0;
	s23 =	sadd.s32 $0x329000, s0;
	[dreg:$0xe] =	wrdreg s20  }
0x15: {  	s24 =	sadd.s32 $0x32A000, s0;
	s25 =	sadd.s32 $0x32B000, s0;
	[dreg:$0xf] =	wrdreg s21  }
0x16: {  	s26 =	sadd.s32 $0x32C000, s0;
	s28 =	sadd.s32 $0x334000, s0;
	[dreg:$0x10] =	wrdreg s22  }
0x17: {  	s29 =	sadd.s32 $0x335000, s0;
	s30 =	sadd.s32 $0x336000, s0;
	[dreg:$0x11] =	wrdreg s23  }
0x18: {  	s31 =	sadd.s32 $0x337000, s0;
	s4 =	sshrl.u32 s6, $0x3;
	[dreg:$0x12] =	wrdreg s24  }
0x19: {  	s6 =	simm.s32 $0x440;
	s8 =	simm.s32 $0x3640;
	[dreg:$0x13] =	wrdreg s25  }
0x1a: {  	s13 =	simm.s32 $0x4;
	[dreg:$0x14] =	wrdreg s26;
	s20 =	sadd.s32 $0x32D000, s0  }
0x1b: {  	s21 =	sadd.s32 $0x32E000, s0;
	s22 =	sadd.s32 $0x32F000, s0;
	s23 =	sadd.s32 $0x330000, s0  }
0x1c: {  	s24 =	sadd.s32 $0x331000, s0;
	s25 =	sadd.s32 $0x332000, s0;
	s26 =	sadd.s32 $0x333000, s0  }
0x1d: {  	s0 =	sadd.s32 $0x338000, s0;
	s1 =	smax.u32 s7, $0x1;
	s17 =	smul.u32 $0x11, s10  }
0x1e: {  	s7 =	simm.s32 $0x200;
	s10 =	simm.s32 $0x1;
	s14 =	simm.s32 $0x3  }
0x1f: {  	s15 =	simm.s32 $0x5;
	s16 =	simm.s32 $0x6;
	v0 =	vmov s17;
	s17 =	simm.s32 $0x0  }
.LBB2_1:
0x20: {  	s18 =	rddreg [dreg:$0x5]  }
0x21: {  	s19 =	rddreg [dreg:$0x6]  }
0x22: {  	[spmem:s4], [sflag:s19] =	dma.local [hbm:s18], $0x88  }
0x23: {  	_ =	swait.ge [sflag:s5], $0x88  }
0x24: {  	[sflag:s5] =	ssyncset.done $0x0  }
0x25: {  	s19 =	rddreg [dreg:$0x7];
	[sflag:s5] =	ssyncadd.s32 $0xFFFFFF78  }
0x26: {  	[tilespmem:s6], [sflag:$0x7] =	stream.linear.gather [hbm4b:s19+s3], $0x3200, $0x38;
	[tilespmem:$0x1B640] =	vst v63  }
0x27: {  	_ =	swait.ge [sflag:s5], $0x3200  }
0x28: {  	[sflag:s5] =	ssyncset.done $0x0  }
0x29: {  	s18 =	simm.s32 $0x0;
	s19 =	simm.s32 $0x40;
	[sflag:s5] =	ssyncadd.s32 $0xFFFFCE00  }
.LBB2_2:
0x2a: {  	p0 =	sne.s32 s19, $0xC7C0;
	v1 =	vld [tilespmem:s18+$0x440];
	_ =	sdelay $0x1  }
.Ltmp0:
0x2b: {  	(pc) =	sbr.rel @p0 .LBB2_2-.Ltmp0, $3  }
0x2c: {  	_ =	sdelay $0x1  }
0x2d: {  	v1 =	vadd.s32 v0, v1  }
0x2e: {  	[tilespmem:s18+$0x440] =	vst v1;
	s18 =	sshra.s32 s19, $0x2;
	s19 =	sadd.s32 $0x40, s19  }
0x2f: {  	v1 =	vld [tilespmem:s18+$0x440];
	_ =	sdelay $0x4  }
0x30: {  	v1 =	vadd.s32 v0, v1  }
0x31: {  	[tilespmem:s18+$0x440] =	vst v1  }
0x32: {  	[tilespmem:s8], [sflag:$0x1] =	stream.indirect.gather [spmem:s2], $0x40, s6, s7, $0xb8;
	[tilespmem:$0x1B640] =	vst v63  }
0x33: {  	s19 =	simm.s32 $0x640  }
0x34: {  	[tilespmem:s9], [sflag:$0x2] =	stream.indirect.gather [spmem:s2], $0x40, s19, s7, $0xb8;
	[tilespmem:$0x1B640] =	vst v63  }
0x35: {  	_ =	swait.ge [sflag:s10], $0x8000  }
0x36: {  	[sflag:s10] =	ssyncset.done $0x0  }
0x37: {  	s19 =	simm.s32 $0x840;
	[sflag:s10] =	ssyncadd.s32 $0xFFFF8000  }
0x38: {  	[tilespmem:s11], [sflag:$0x3] =	stream.indirect.gather [spmem:s2], $0x40, s19, s7, $0xb8;
	[tilespmem:$0x1B640] =	vst v63  }
0x39: {  	s19 =	rddreg [dreg:$0x8]  }
0x3a: {  	[hbm4b:s19+s3] =	stream.linear.scatter [tilespmem:s8], [sflag:$0x4], $0x8000, $0x38;
	[tilespmem:$0x1B640] =	vst v63  }
0x3b: {  	_ =	swait.ge [sflag:s12], $0x8000  }
0x3c: {  	[sflag:s12] =	ssyncset.done $0x0  }
0x3d: {  	[sflag:s12] =	ssyncadd.s32 $0xFFFF8000  }
0x3e: {  	_ =	swait.ge [sflag:s13], $0x8000  }
0x3f: {  	[sflag:s13] =	ssyncset.done $0x0  }
0x40: {  	s19 =	simm.s32 $0xA40;
	[sflag:s13] =	ssyncadd.s32 $0xFFFF8000  }
0x41: {  	[tilespmem:s8], [sflag:$0x1] =	stream.indirect.gather [spmem:s2], $0x40, s19, s7, $0xb8;
	[tilespmem:$0x1B640] =	vst v63  }
0x42: {  	s19 =	rddreg [dreg:$0x9]  }
0x43: {  	[hbm4b:s19+s3] =	stream.linear.scatter [tilespmem:s9], [sflag:$0x5], $0x8000, $0x38;
	[tilespmem:$0x1B640] =	vst v63  }
0x44: {  	_ =	swait.ge [sflag:s14], $0x8000  }
0x45: {  	[sflag:s14] =	ssyncset.done $0x0  }
0x46: {  	[sflag:s14] =	ssyncadd.s32 $0xFFFF8000  }
0x47: {  	_ =	swait.ge [sflag:s15], $0x8000  }
0x48: {  	[sflag:s15] =	ssyncset.done $0x0  }
0x49: {  	s19 =	simm.s32 $0xC40;
	[sflag:s15] =	ssyncadd.s32 $0xFFFF8000  }
0x4a: {  	[tilespmem:s9], [sflag:$0x2] =	stream.indirect.gather [spmem:s2], $0x40, s19, s7, $0xb8;
	[tilespmem:$0x1B640] =	vst v63  }
0x4b: {  	s19 =	rddreg [dreg:$0xa]  }
0x4c: {  	[hbm4b:s19+s3] =	stream.linear.scatter [tilespmem:s11], [sflag:$0x6], $0x8000, $0x38;
	[tilespmem:$0x1B640] =	vst v63  }
0x4d: {  	_ =	swait.ge [sflag:s10], $0x8000  }
0x4e: {  	[sflag:s10] =	ssyncset.done $0x0  }
0x4f: {  	[sflag:s10] =	ssyncadd.s32 $0xFFFF8000  }
0x50: {  	_ =	swait.ge [sflag:s16], $0x8000  }
0x51: {  	[sflag:s16] =	ssyncset.done $0x0  }
0x52: {  	s19 =	simm.s32 $0xE40;
	[sflag:s16] =	ssyncadd.s32 $0xFFFF8000  }
0x53: {  	[tilespmem:s11], [sflag:$0x3] =	stream.indirect.gather [spmem:s2], $0x40, s19, s7, $0xb8;
	[tilespmem:$0x1B640] =	vst v63  }
0x54: {  	s19 =	rddreg [dreg:$0xb]  }
0x55: {  	[hbm4b:s19+s3] =	stream.linear.scatter [tilespmem:s8], [sflag:$0x4], $0x8000, $0x38;
	[tilespmem:$0x1B640] =	vst v63  }
0x56: {  	_ =	swait.ge [sflag:s12], $0x8000  }
0x57: {  	[sflag:s12] =	ssyncset.done $0x0  }
0x58: {  	[sflag:s12] =	ssyncadd.s32 $0xFFFF8000  }
0x59: {  	_ =	swait.ge [sflag:s13], $0x8000  }
0x5a: {  	[sflag:s13] =	ssyncset.done $0x0  }
0x5b: {  	s19 =	simm.s32 $0x1040;
	[sflag:s13] =	ssyncadd.s32 $0xFFFF8000  }
0x5c: {  	[tilespmem:s8], [sflag:$0x1] =	stream.indirect.gather [spmem:s2], $0x40, s19, s7, $0xb8;
	[tilespmem:$0x1B640] =	vst v63  }
0x5d: {  	s19 =	rddreg [dreg:$0xc]  }
0x5e: {  	[hbm4b:s19+s3] =	stream.linear.scatter [tilespmem:s9], [sflag:$0x5], $0x8000, $0x38;
	[tilespmem:$0x1B640] =	vst v63  }
0x5f: {  	_ =	swait.ge [sflag:s14], $0x8000  }
0x60: {  	[sflag:s14] =	ssyncset.done $0x0  }
0x61: {  	[sflag:s14] =	ssyncadd.s32 $0xFFFF8000  }
0x62: {  	_ =	swait.ge [sflag:s15], $0x8000  }
0x63: {  	[sflag:s15] =	ssyncset.done $0x0  }
0x64: {  	s19 =	simm.s32 $0x1240;
	[sflag:s15] =	ssyncadd.s32 $0xFFFF8000  }
0x65: {  	[tilespmem:s9], [sflag:$0x2] =	stream.indirect.gather [spmem:s2], $0x40, s19, s7, $0xb8;
	[tilespmem:$0x1B640] =	vst v63  }
0x66: {  	s19 =	rddreg [dreg:$0xd]  }
0x67: {  	[hbm4b:s19+s3] =	stream.linear.scatter [tilespmem:s11], [sflag:$0x6], $0x8000, $0x38;
	[tilespmem:$0x1B640] =	vst v63  }
0x68: {  	_ =	swait.ge [sflag:s10], $0x8000  }
0x69: {  	[sflag:s10] =	ssyncset.done $0x0  }
0x6a: {  	[sflag:s10] =	ssyncadd.s32 $0xFFFF8000  }
0x6b: {  	_ =	swait.ge [sflag:s16], $0x8000  }
0x6c: {  	[sflag:s16] =	ssyncset.done $0x0  }
0x6d: {  	s19 =	simm.s32 $0x1440;
	[sflag:s16] =	ssyncadd.s32 $0xFFFF8000  }
0x6e: {  	[tilespmem:s11], [sflag:$0x3] =	stream.indirect.gather [spmem:s2], $0x40, s19, s7, $0xb8;
	[tilespmem:$0x1B640] =	vst v63  }
0x6f: {  	s19 =	rddreg [dreg:$0xe]  }
0x70: {  	[hbm4b:s19+s3] =	stream.linear.scatter [tilespmem:s8], [sflag:$0x4], $0x8000, $0x38;
	[tilespmem:$0x1B640] =	vst v63  }
0x71: {  	_ =	swait.ge [sflag:s12], $0x8000  }
0x72: {  	[sflag:s12] =	ssyncset.done $0x0  }
0x73: {  	[sflag:s12] =	ssyncadd.s32 $0xFFFF8000  }
0x74: {  	_ =	swait.ge [sflag:s13], $0x8000  }
0x75: {  	[sflag:s13] =	ssyncset.done $0x0  }
0x76: {  	s19 =	simm.s32 $0x1640;
	[sflag:s13] =	ssyncadd.s32 $0xFFFF8000  }
0x77: {  	[tilespmem:s8], [sflag:$0x1] =	stream.indirect.gather [spmem:s2], $0x40, s19, s7, $0xb8;
	[tilespmem:$0x1B640] =	vst v63  }
0x78: {  	s19 =	rddreg [dreg:$0xf]  }
0x79: {  	[hbm4b:s19+s3] =	stream.linear.scatter [tilespmem:s9], [sflag:$0x5], $0x8000, $0x38;
	[tilespmem:$0x1B640] =	vst v63  }
0x7a: {  	_ =	swait.ge [sflag:s14], $0x8000  }
0x7b: {  	[sflag:s14] =	ssyncset.done $0x0  }
0x7c: {  	[sflag:s14] =	ssyncadd.s32 $0xFFFF8000  }
0x7d: {  	_ =	swait.ge [sflag:s15], $0x8000  }
0x7e: {  	[sflag:s15] =	ssyncset.done $0x0  }
0x7f: {  	s19 =	simm.s32 $0x1840;
	[sflag:s15] =	ssyncadd.s32 $0xFFFF8000  }
0x80: {  	[tilespmem:s9], [sflag:$0x2] =	stream.indirect.gather [spmem:s2], $0x40, s19, s7, $0xb8;
	[tilespmem:$0x1B640] =	vst v63  }
0x81: {  	s19 =	rddreg [dreg:$0x10]  }
0x82: {  	[hbm4b:s19+s3] =	stream.linear.scatter [tilespmem:s11], [sflag:$0x6], $0x8000, $0x38;
	[tilespmem:$0x1B640] =	vst v63  }
0x83: {  	_ =	swait.ge [sflag:s10], $0x8000  }
0x84: {  	[sflag:s10] =	ssyncset.done $0x0  }
0x85: {  	[sflag:s10] =	ssyncadd.s32 $0xFFFF8000  }
0x86: {  	_ =	swait.ge [sflag:s16], $0x8000  }
0x87: {  	[sflag:s16] =	ssyncset.done $0x0  }
0x88: {  	s19 =	simm.s32 $0x1A40;
	[sflag:s16] =	ssyncadd.s32 $0xFFFF8000  }
0x89: {  	[tilespmem:s11], [sflag:$0x3] =	stream.indirect.gather [spmem:s2], $0x40, s19, s7, $0xb8;
	[tilespmem:$0x1B640] =	vst v63  }
0x8a: {  	s19 =	rddreg [dreg:$0x11]  }
0x8b: {  	[hbm4b:s19+s3] =	stream.linear.scatter [tilespmem:s8], [sflag:$0x4], $0x8000, $0x38;
	[tilespmem:$0x1B640] =	vst v63  }
0x8c: {  	_ =	swait.ge [sflag:s12], $0x8000  }
0x8d: {  	[sflag:s12] =	ssyncset.done $0x0  }
0x8e: {  	[sflag:s12] =	ssyncadd.s32 $0xFFFF8000  }
0x8f: {  	_ =	swait.ge [sflag:s13], $0x8000  }
0x90: {  	[sflag:s13] =	ssyncset.done $0x0  }
0x91: {  	s19 =	simm.s32 $0x1C40;
	[sflag:s13] =	ssyncadd.s32 $0xFFFF8000  }
0x92: {  	[tilespmem:s8], [sflag:$0x1] =	stream.indirect.gather [spmem:s2], $0x40, s19, s7, $0xb8;
	[tilespmem:$0x1B640] =	vst v63  }
0x93: {  	s19 =	rddreg [dreg:$0x12]  }
0x94: {  	[hbm4b:s19+s3] =	stream.linear.scatter [tilespmem:s9], [sflag:$0x5], $0x8000, $0x38;
	[tilespmem:$0x1B640] =	vst v63  }
0x95: {  	_ =	swait.ge [sflag:s14], $0x8000  }
0x96: {  	[sflag:s14] =	ssyncset.done $0x0  }
0x97: {  	[sflag:s14] =	ssyncadd.s32 $0xFFFF8000  }
0x98: {  	_ =	swait.ge [sflag:s15], $0x8000  }
0x99: {  	[sflag:s15] =	ssyncset.done $0x0  }
0x9a: {  	s19 =	simm.s32 $0x1E40;
	[sflag:s15] =	ssyncadd.s32 $0xFFFF8000  }
0x9b: {  	[tilespmem:s9], [sflag:$0x2] =	stream.indirect.gather [spmem:s2], $0x40, s19, s7, $0xb8;
	[tilespmem:$0x1B640] =	vst v63  }
0x9c: {  	s19 =	rddreg [dreg:$0x13]  }
0x9d: {  	[hbm4b:s19+s3] =	stream.linear.scatter [tilespmem:s11], [sflag:$0x6], $0x8000, $0x38;
	[tilespmem:$0x1B640] =	vst v63  }
0x9e: {  	_ =	swait.ge [sflag:s10], $0x8000  }
0x9f: {  	[sflag:s10] =	ssyncset.done $0x0  }
0xa0: {  	[sflag:s10] =	ssyncadd.s32 $0xFFFF8000  }
0xa1: {  	_ =	swait.ge [sflag:s16], $0x8000  }
0xa2: {  	[sflag:s16] =	ssyncset.done $0x0  }
0xa3: {  	s19 =	simm.s32 $0x2040;
	[sflag:s16] =	ssyncadd.s32 $0xFFFF8000  }
0xa4: {  	[tilespmem:s11], [sflag:$0x3] =	stream.indirect.gather [spmem:s2], $0x40, s19, s7, $0xb8;
	[tilespmem:$0x1B640] =	vst v63  }
0xa5: {  	s19 =	rddreg [dreg:$0x14]  }
0xa6: {  	[hbm4b:s19+s3] =	stream.linear.scatter [tilespmem:s8], [sflag:$0x4], $0x8000, $0x38;
	[tilespmem:$0x1B640] =	vst v63  }
0xa7: {  	_ =	swait.ge [sflag:s12], $0x8000  }
0xa8: {  	[sflag:s12] =	ssyncset.done $0x0  }
0xa9: {  	[sflag:s12] =	ssyncadd.s32 $0xFFFF8000  }
0xaa: {  	_ =	swait.ge [sflag:s13], $0x8000  }
0xab: {  	[sflag:s13] =	ssyncset.done $0x0  }
0xac: {  	s19 =	simm.s32 $0x2240;
	[sflag:s13] =	ssyncadd.s32 $0xFFFF8000  }
0xad: {  	[tilespmem:s8], [sflag:$0x1] =	stream.indirect.gather [spmem:s2], $0x40, s19, s7, $0xb8;
	[tilespmem:$0x1B640] =	vst v63  }
0xae: {  	_ = 	snop  }
0xaf: {  	[hbm4b:s20+s3] =	stream.linear.scatter [tilespmem:s9], [sflag:$0x5], $0x8000, $0x38;
	[tilespmem:$0x1B640] =	vst v63  }
0xb0: {  	_ =	swait.ge [sflag:s14], $0x8000  }
0xb1: {  	[sflag:s14] =	ssyncset.done $0x0  }
0xb2: {  	[sflag:s14] =	ssyncadd.s32 $0xFFFF8000  }
0xb3: {  	_ =	swait.ge [sflag:s15], $0x8000  }
0xb4: {  	[sflag:s15] =	ssyncset.done $0x0  }
0xb5: {  	s19 =	simm.s32 $0x2440;
	[sflag:s15] =	ssyncadd.s32 $0xFFFF8000  }
0xb6: {  	[tilespmem:s9], [sflag:$0x2] =	stream.indirect.gather [spmem:s2], $0x40, s19, s7, $0xb8;
	[tilespmem:$0x1B640] =	vst v63  }
0xb7: {  	_ = 	snop  }
0xb8: {  	[hbm4b:s21+s3] =	stream.linear.scatter [tilespmem:s11], [sflag:$0x6], $0x8000, $0x38;
	[tilespmem:$0x1B640] =	vst v63  }
0xb9: {  	_ =	swait.ge [sflag:s10], $0x8000  }
0xba: {  	[sflag:s10] =	ssyncset.done $0x0  }
0xbb: {  	[sflag:s10] =	ssyncadd.s32 $0xFFFF8000  }
0xbc: {  	_ =	swait.ge [sflag:s16], $0x8000  }
0xbd: {  	[sflag:s16] =	ssyncset.done $0x0  }
0xbe: {  	s19 =	simm.s32 $0x2640;
	[sflag:s16] =	ssyncadd.s32 $0xFFFF8000  }
0xbf: {  	[tilespmem:s11], [sflag:$0x3] =	stream.indirect.gather [spmem:s2], $0x40, s19, s7, $0xb8;
	[tilespmem:$0x1B640] =	vst v63  }
0xc0: {  	_ = 	snop  }
0xc1: {  	[hbm4b:s22+s3] =	stream.linear.scatter [tilespmem:s8], [sflag:$0x4], $0x8000, $0x38;
	[tilespmem:$0x1B640] =	vst v63  }
0xc2: {  	_ =	swait.ge [sflag:s12], $0x8000  }
0xc3: {  	[sflag:s12] =	ssyncset.done $0x0  }
0xc4: {  	[sflag:s12] =	ssyncadd.s32 $0xFFFF8000  }
0xc5: {  	_ =	swait.ge [sflag:s13], $0x8000  }
0xc6: {  	[sflag:s13] =	ssyncset.done $0x0  }
0xc7: {  	s19 =	simm.s32 $0x2840;
	[sflag:s13] =	ssyncadd.s32 $0xFFFF8000  }
0xc8: {  	[tilespmem:s8], [sflag:$0x1] =	stream.indirect.gather [spmem:s2], $0x40, s19, s7, $0xb8;
	[tilespmem:$0x1B640] =	vst v63  }
0xc9: {  	_ = 	snop  }
0xca: {  	[hbm4b:s23+s3] =	stream.linear.scatter [tilespmem:s9], [sflag:$0x5], $0x8000, $0x38;
	[tilespmem:$0x1B640] =	vst v63  }
0xcb: {  	_ =	swait.ge [sflag:s14], $0x8000  }
0xcc: {  	[sflag:s14] =	ssyncset.done $0x0  }
0xcd: {  	[sflag:s14] =	ssyncadd.s32 $0xFFFF8000  }
0xce: {  	_ =	swait.ge [sflag:s15], $0x8000  }
0xcf: {  	[sflag:s15] =	ssyncset.done $0x0  }
0xd0: {  	s19 =	simm.s32 $0x2A40;
	[sflag:s15] =	ssyncadd.s32 $0xFFFF8000  }
0xd1: {  	[tilespmem:s9], [sflag:$0x2] =	stream.indirect.gather [spmem:s2], $0x40, s19, s7, $0xb8;
	[tilespmem:$0x1B640] =	vst v63  }
0xd2: {  	_ = 	snop  }
0xd3: {  	[hbm4b:s24+s3] =	stream.linear.scatter [tilespmem:s11], [sflag:$0x6], $0x8000, $0x38;
	[tilespmem:$0x1B640] =	vst v63  }
0xd4: {  	_ =	swait.ge [sflag:s10], $0x8000  }
0xd5: {  	[sflag:s10] =	ssyncset.done $0x0  }
0xd6: {  	[sflag:s10] =	ssyncadd.s32 $0xFFFF8000  }
0xd7: {  	_ =	swait.ge [sflag:s16], $0x8000  }
0xd8: {  	[sflag:s16] =	ssyncset.done $0x0  }
0xd9: {  	s19 =	simm.s32 $0x2C40;
	[sflag:s16] =	ssyncadd.s32 $0xFFFF8000  }
0xda: {  	[tilespmem:s11], [sflag:$0x3] =	stream.indirect.gather [spmem:s2], $0x40, s19, s7, $0xb8;
	[tilespmem:$0x1B640] =	vst v63  }
0xdb: {  	_ = 	snop  }
0xdc: {  	[hbm4b:s25+s3] =	stream.linear.scatter [tilespmem:s8], [sflag:$0x4], $0x8000, $0x38;
	[tilespmem:$0x1B640] =	vst v63  }
0xdd: {  	_ =	swait.ge [sflag:s12], $0x8000  }
0xde: {  	[sflag:s12] =	ssyncset.done $0x0  }
0xdf: {  	[sflag:s12] =	ssyncadd.s32 $0xFFFF8000  }
0xe0: {  	_ =	swait.ge [sflag:s13], $0x8000  }
0xe1: {  	[sflag:s13] =	ssyncset.done $0x0  }
0xe2: {  	s19 =	simm.s32 $0x2E40;
	[sflag:s13] =	ssyncadd.s32 $0xFFFF8000  }
0xe3: {  	[tilespmem:s8], [sflag:$0x1] =	stream.indirect.gather [spmem:s2], $0x40, s19, s7, $0xb8;
	[tilespmem:$0x1B640] =	vst v63  }
0xe4: {  	_ = 	snop  }
0xe5: {  	[hbm4b:s26+s3] =	stream.linear.scatter [tilespmem:s9], [sflag:$0x5], $0x8000, $0x38;
	[tilespmem:$0x1B640] =	vst v63  }
0xe6: {  	_ =	swait.ge [sflag:s14], $0x8000  }
0xe7: {  	[sflag:s14] =	ssyncset.done $0x0  }
0xe8: {  	[sflag:s14] =	ssyncadd.s32 $0xFFFF8000  }
0xe9: {  	_ =	swait.ge [sflag:s15], $0x8000  }
0xea: {  	[sflag:s15] =	ssyncset.done $0x0  }
0xeb: {  	s19 =	simm.s32 $0x3040;
	[sflag:s15] =	ssyncadd.s32 $0xFFFF8000  }
0xec: {  	[tilespmem:s9], [sflag:$0x2] =	stream.indirect.gather [spmem:s2], $0x40, s19, s7, $0xb8;
	[tilespmem:$0x1B640] =	vst v63  }
0xed: {  	_ = 	snop  }
0xee: {  	[hbm4b:s28+s3] =	stream.linear.scatter [tilespmem:s11], [sflag:$0x6], $0x8000, $0x38;
	[tilespmem:$0x1B640] =	vst v63  }
0xef: {  	_ =	swait.ge [sflag:s10], $0x8000  }
0xf0: {  	[sflag:s10] =	ssyncset.done $0x0  }
0xf1: {  	[sflag:s10] =	ssyncadd.s32 $0xFFFF8000  }
0xf2: {  	_ =	swait.ge [sflag:s16], $0x8000  }
0xf3: {  	[sflag:s16] =	ssyncset.done $0x0  }
0xf4: {  	s19 =	simm.s32 $0x3240;
	[sflag:s16] =	ssyncadd.s32 $0xFFFF8000  }
0xf5: {  	[tilespmem:s11], [sflag:$0x3] =	stream.indirect.gather [spmem:s2], $0x40, s19, s7, $0xb8;
	[tilespmem:$0x1B640] =	vst v63  }
0xf6: {  	_ = 	snop  }
0xf7: {  	[hbm4b:s29+s3] =	stream.linear.scatter [tilespmem:s8], [sflag:$0x4], $0x8000, $0x38;
	[tilespmem:$0x1B640] =	vst v63  }
0xf8: {  	_ =	swait.ge [sflag:s12], $0x8000  }
0xf9: {  	[sflag:s12] =	ssyncset.done $0x0  }
0xfa: {  	[sflag:s12] =	ssyncadd.s32 $0xFFFF8000  }
0xfb: {  	_ =	swait.ge [sflag:s13], $0x8000  }
0xfc: {  	[sflag:s13] =	ssyncset.done $0x0  }
0xfd: {  	s19 =	simm.s32 $0x3440;
	[sflag:s13] =	ssyncadd.s32 $0xFFFF8000  }
0xfe: {  	[tilespmem:s8], [sflag:$0x1] =	stream.indirect.gather [spmem:s2], $0x40, s19, s7, $0xb8;
	[tilespmem:$0x1B640] =	vst v63  }
0xff: {  	_ = 	snop  }
0x100: {  	[hbm4b:s30+s3] =	stream.linear.scatter [tilespmem:s9], [sflag:$0x5], $0x8000, $0x38;
	[tilespmem:$0x1B640] =	vst v63  }
0x101: {  	_ =	swait.ge [sflag:s14], $0x8000  }
0x102: {  	[sflag:s14] =	ssyncset.done $0x0  }
0x103: {  	[sflag:s14] =	ssyncadd.s32 $0xFFFF8000  }
0x104: {  	_ =	swait.ge [sflag:s15], $0x8000  }
0x105: {  	[sflag:s15] =	ssyncset.done $0x0  }
0x106: {  	[sflag:s15] =	ssyncadd.s32 $0xFFFF8000  }
0x107: {  	[hbm4b:s31+s3] =	stream.linear.scatter [tilespmem:s11], [sflag:$0x6], $0x8000, $0x38;
	[tilespmem:$0x1B640] =	vst v63  }
0x108: {  	_ =	swait.ge [sflag:s10], $0x8000  }
0x109: {  	[sflag:s10] =	ssyncset.done $0x0  }
0x10a: {  	[sflag:s10] =	ssyncadd.s32 $0xFFFF8000  }
0x10b: {  	s17 =	sadd.s32 $0x1, s17;
	_ =	swait.ge [sflag:s16], $0x8000  }
0x10c: {  	p0 =	sne.s32 s17, s1;
	[sflag:s16] =	ssyncset.done $0x0  }
.Ltmp1:
0x10d: {  	[sflag:s16] =	ssyncadd.s32 $0xFFFF8000;
	(pc) =	sbr.rel @p0 .LBB2_1-.Ltmp1, $4  }
0x10e: {  	[hbm4b:s0+s3] =	stream.linear.scatter [tilespmem:s8], [sflag:$0x4], $0x8000, $0x38;
	[tilespmem:$0x1B640] =	vst v63  }
0x10f: {  	_ =	swait.ge [sflag:s13], $0x8000  }
0x110: {  	[sflag:s13] =	ssyncset.done $0x0  }
0x111: {  	[sflag:s13] =	ssyncadd.s32 $0xFFFF8000  }
0x112: {  	_ =	sfence.sel $0x180000  }
0x113: {  	[bflag:$0x0] =	sbarrier.arrive $0xFFFF  }
0x114: {  	_ =	strace $0x90000047  }
0x115: {  	s0 =	stileid.u32;
	[bflag:$0x2] =	sbarrier.arrive $0xFFFF  }
0x116: {  	p0 =	sne.s32 s0, $0x0;
	s0 =	rddreg [dreg:$0x4]  }
0x117: {  	s0 =	sadd.s32 @!p0 $0x100000, s0  }
0x118: {  	[sflag:s0] =	ssyncadd.tile.s32 @!p0 $0x1;
	_ =	shalt  }
.Lfunc_end2:
_tile_overlayer_lowered:
.L_overlay_start_2:
0x119: {  	(tag) =	ssettag $0x2  }
0x11a: {  	s0 =	rddreg [dreg:$0x0];
	s2 =	stileid.u32  }
0x11b: {  	s1 =	rddreg [dreg:$0x1];
	p0 =	sne.s32 s2, $0x0  }
0x11c: {  	s3 =	rddreg [dreg:$0x2];
	[bflag:$0x3] =	sbarrier.arrive $0xFFFF;
	s2 =	simm.s32 @!p0 $0x1C08  }
0x11d: {  	[timem:s3], [sflag:s2] =	dma.local @!p0 [hbm:s0], s1  }
0x11e: {  	s0 =	simm.s32 @!p0 $0x8  }
0x11f: {  	_ =	swait.ge @!p0 [sflag:s0], s1  }
0x120: {  	s1 =	ssub.s32 @!p0 $0x0, s1;
	[sflag:s0] =	ssyncset.done @!p0 $0x0  }
0x121: {  	[sflag:s0] =	ssyncadd.s32 @!p0 s1  }
0x122: {  	[bflag:$0x3] =	sbarrier.arrive $0xFFFF  }
0x123: {  	_ =	shalt  }

</sc_bundles>
